<compile_context>
chip_gen: v7x
topology: tpu7x:2x2x1
jax: 0.10.2.dev20260603
libtpu: 0.0.44.dev20260713+nightly
codegen_flags: <defaults>
</compile_context>

<pallas_src>
import functools

import jax
import jax.numpy as jnp
from jax import lax
from jax.experimental import pallas as pl
from jax.experimental.pallas import tpu as pltpu
from jax.experimental.pallas import tpu_sc as plsc


def _make_sc_kernel(B, D, V, NC, NW, L):
    ROW_MAIN = (V // 128) * 128
    TAIL = V - ROW_MAIN
    F_PER_W = D // NW
    CHUNK = 4096
    n_chunks = B // CHUNK
    inv_n = 1.0 / (B * D)

    mesh = plsc.VectorSubcoreMesh(core_axis_name="c", subcore_axis_name="s")

    @functools.partial(
        pl.kernel,
        mesh=mesh,
        compiler_params=pltpu.CompilerParams(use_tc_tiling_on_sc=True,
                                             needs_layout_passes=False),
        out_type=jax.ShapeDtypeStruct((NW, 8, 128), jnp.float32),
        scratch_types=[
            pltpu.VMEM((ROW_MAIN + 128,), jnp.float32),
            pltpu.VMEM((B,), jnp.int32),
            pltpu.VMEM((CHUNK,), jnp.float32),
            pltpu.VMEM((CHUNK,), jnp.float32),
            pltpu.VMEM((8, 128), jnp.float32),
            pltpu.SemaphoreType.DMA,
            pltpu.SemaphoreType.DMA,
        ],
    )
    def sc_kernel(x_hbm, idx_hbm, tab_hbm, tail_hbm, out_hbm, row_v, lab_v,
                  xv0, xv1, ob_v, lsem, xsem):
        wid = lax.axis_index("s") * NC + lax.axis_index("c")
        xvs = (xv0, xv1)
        zero = jnp.zeros((L,), jnp.float32)
        acc = zero

        pltpu.async_copy(idx_hbm.at[pl.ds(0, B)], lab_v, lsem)

        ts, rs = [], []
        for fi in range(F_PER_W):
            f = F_PER_W * wid + fi
            ts.append(lax.shift_right_logical(f, 3))
            rs.append(lax.bitwise_and(f, 7))

        def fire(fi, c, buf):
            pltpu.async_copy(
                x_hbm.at[ts[fi], rs[fi], pl.ds(c * CHUNK, CHUNK)],
                xvs[buf], xsem)

        n_pairs = n_chunks // 2

        for fi in range(F_PER_W):
            t, r = ts[fi], rs[fi]
            fire(fi, 0, 0)
            fire(fi, 1, 1)
            pltpu.sync_copy(tab_hbm.at[t, r, pl.ds(0, ROW_MAIN)],
                            row_v.at[pl.ds(0, ROW_MAIN)])
            if TAIL:
                pltpu.sync_copy(tail_hbm.at[t, r, pl.ds(0, 128)],
                                row_v.at[pl.ds(ROW_MAIN, 128)])
            if fi == 0:
                pltpu.make_async_copy(idx_hbm.at[pl.ds(0, B)], lab_v,
                                      lsem).wait()

            def pair_body(p, a):
                for buf in range(2):
                    pltpu.make_async_copy(
                        x_hbm.at[t, r, pl.ds(0, CHUNK)], xvs[buf],
                        xsem).wait()
                    base = (2 * p + buf) * CHUNK
                    xv = xvs[buf]

                    def body(blk, aa):
                        out = []
                        for u in range(4):
                            off = base + (blk * 4 + u) * L
                            cv = plsc.load_gather(
                                row_v, [lab_v[pl.ds(off, L)]])
                            d = xv[pl.ds((blk * 4 + u) * L, L)] - cv
                            out.append(aa[u] + d * d)
                        return tuple(out)

                    a = lax.fori_loop(0, CHUNK // (4 * L), body, a)

                    @pl.when(p + 1 < n_pairs)
                    def _():
                        fire(fi, 2 * p + 2 + buf, buf)
                return a

            accs = lax.fori_loop(0, n_pairs, pair_body,
                                 (acc, zero, zero, zero))
            acc = (accs[0] + accs[1]) + (accs[2] + accs[3])

        for rr in range(8):
            for h in range(128 // L):
                ob_v[rr, pl.ds(h * L, L)] = jnp.zeros((L,), jnp.float32)
        ob_v[0, pl.ds(0, L)] = acc * inv_n
        pltpu.sync_copy(ob_v, out_hbm.at[wid])

    return sc_kernel


def kernel(x, labels, centers):
    B, D = x.shape
    V = centers.shape[0]
    info = plsc.get_sparse_core_info()
    NC, NS, L = info.num_cores, info.num_subcores, info.num_lanes
    NW = NC * NS

    sc_kernel = _make_sc_kernel(B, D, V, NC, NW, L)
    row_main = (V // 128) * 128
    tail = jnp.pad(centers[row_main:].T, ((0, 0), (0, 128 - (V - row_main))))
    partials = sc_kernel(
        x.T.reshape(D // 8, 8, B),
        labels.astype(jnp.int32),
        centers.T.reshape(D // 8, 8, V),
        tail.reshape(D // 8, 8, 128),
    )
    return jnp.sum(partials)

# --- scband reference (transcript-rebuilt; emitter-appended) ---
"""Pipeline reference for scband-center-loss-79431125172862 (READ-ONLY COPY).

The authoritative reference and input builder live on the scoring server;
editing this copy changes nothing except your own understanding.
"""

import jax, jax.numpy as jnp
import numpy as np

NUM_CLASSES = 100000
FEAT_DIM = 64
BATCH = 16384

def setup_inputs(seed: int = 0) -> dict:
    key = jax.random.key(seed)
    k1, k2, k3 = jax.random.split(key, 3)
    x = jax.random.normal(k1, (BATCH, FEAT_DIM), dtype=jnp.float32)
    labels = jax.random.randint(k2, (BATCH,), 0, NUM_CLASSES, dtype=jnp.int64 if jax.config.jax_enable_x64 else jnp.int32)
    centers = jax.random.normal(k3, (NUM_CLASSES, FEAT_DIM), dtype=jnp.float32)
    return {"x": x, "labels": labels, "centers": centers}

def reference(x, labels, centers):
    # target_centers = self.centers[labels]  (embedding gather)
    target_centers = jnp.take(centers, labels, axis=0)
    # nn.MSELoss default: mean over all elements
    return jnp.mean((x - target_centers) ** 2)

if __name__ == "__main__":
    import jax
    _d = setup_inputs()
    print(jax.jit(kernel)(*tuple(_d.values())))

</pallas_src>

<mosaic_0001>
#map = affine_map<(d0, d1) -> (0, 0, 0)>
#map1 = affine_map<(d0, d1) -> (0)>
module attributes {stable_mosaic.version = 14 : i64} {
  func.func @sc_kernel(%arg0: i32, %arg1: i32, %arg2: memref<8x8x16384xf32, #tpu.memory_space<hbm>>, %arg3: memref<16384xi32, #tpu.memory_space<hbm>>, %arg4: memref<8x8x100000xf32, #tpu.memory_space<hbm>>, %arg5: memref<8x8x128xf32, #tpu.memory_space<hbm>>, %arg6: memref<32x8x128xf32, #tpu.memory_space<hbm>>, %arg7: memref<100096xf32, #tpu.memory_space<vmem>>, %arg8: memref<16384xi32, #tpu.memory_space<vmem>>, %arg9: memref<4096xf32, #tpu.memory_space<vmem>>, %arg10: memref<4096xf32, #tpu.memory_space<vmem>>, %arg11: memref<8x128xf32, #tpu.memory_space<vmem>>, %arg12: memref<!tpu.dma_semaphore, #tpu.memory_space<semaphore_mem>>, %arg13: memref<!tpu.dma_semaphore, #tpu.memory_space<semaphore_mem>>) attributes {dimension_semantics = [#tpu.dimension_semantics<core_parallel>, #tpu.dimension_semantics<subcore_parallel>], iteration_bounds = array<i64: 2, 16>, scalar_prefetch = 0 : i64, scratch_operands = 7 : i64, tpu.core_type = #tpu.core_type<sc_vector_subcore>, window_params = [{transform_indices = #map}, {transform_indices = #map1}, {transform_indices = #map}, {transform_indices = #map}, {transform_indices = #map}]} {
    %mul3A = arith.constant 2 : i32
    %mul3A_0 = arith.muli %arg1, %mul3A : i32
    %add3A = arith.addi %mul3A_0, %arg0 : i32
    %broadcast_in_dim3A = arith.constant 0.000000e+00 : f32
    %broadcast_in_dim3A_1 = vector.broadcast %broadcast_in_dim3A : f32 to vector<16xf32>
    %dma_start3A = arith.constant 0 : i32
    %dma_start3A_2 = tpu.memref_slice %arg3[%dma_start3A] : memref<16384xi32, #tpu.memory_space<hbm>> -> memref<16384xi32, #tpu.memory_space<hbm>>
    %dma_start3A_3 = arith.constant 0 : i32
    %dma_start3A_4 = tpu.memref_slice %arg3[%dma_start3A_3] : memref<16384xi32, #tpu.memory_space<hbm>> -> memref<16384xi32, #tpu.memory_space<hbm>>
    tpu.enqueue_dma source(%dma_start3A_4 : memref<16384xi32, #tpu.memory_space<hbm>>) target(%arg8 : memref<16384xi32, #tpu.memory_space<vmem>>) target_semaphore(%arg12 : memref<!tpu.dma_semaphore, #tpu.memory_space<semaphore_mem>>)
    %mul3A_5 = arith.constant 2 : i32
    %mul3A_6 = arith.muli %mul3A_5, %add3A : i32
    %add3A_7 = arith.constant 0 : i32
    %add3A_8 = arith.addi %mul3A_6, %add3A_7 : i32
    %shift_right_logical3A = arith.constant 3 : i32
    %shift_right_logical3A_9 = arith.shrui %add3A_8, %shift_right_logical3A : i32
    %and3A = arith.constant 7 : i32
    %and3A_10 = arith.andi %add3A_8, %and3A : i32
    %mul3A_11 = arith.constant 2 : i32
    %mul3A_12 = arith.muli %mul3A_11, %add3A : i32
    %add3A_13 = arith.constant 1 : i32
    %add3A_14 = arith.addi %mul3A_12, %add3A_13 : i32
    %shift_right_logical3A_15 = arith.constant 3 : i32
    %shift_right_logical3A_16 = arith.shrui %add3A_14, %shift_right_logical3A_15 : i32
    %and3A_17 = arith.constant 7 : i32
    %and3A_18 = arith.andi %add3A_14, %and3A_17 : i32
    %dma_start3A_19 = arith.constant 0 : i32
    %dma_start3A_20 = tpu.memref_slice %arg2[%shift_right_logical3A_9, %and3A_10, %dma_start3A_19] : memref<8x8x16384xf32, #tpu.memory_space<hbm>> -> memref<1x1x4096xf32, #tpu.memory_space<hbm>>
    %dma_start3A_21 = tpu.memref_squeeze %dma_start3A_20 : memref<1x1x4096xf32, #tpu.memory_space<hbm>> -> memref<4096xf32, #tpu.memory_space<hbm>>
    %dma_start3A_22 = arith.constant 0 : i32
    %dma_start3A_23 = tpu.memref_slice %arg2[%shift_right_logical3A_9, %and3A_10, %dma_start3A_22] : memref<8x8x16384xf32, #tpu.memory_space<hbm>> -> memref<1x1x4096xf32, #tpu.memory_space<hbm>>
    %dma_start3A_24 = tpu.memref_squeeze %dma_start3A_23 : memref<1x1x4096xf32, #tpu.memory_space<hbm>> -> memref<4096xf32, #tpu.memory_space<hbm>>
    tpu.enqueue_dma source(%dma_start3A_24 : memref<4096xf32, #tpu.memory_space<hbm>>) target(%arg9 : memref<4096xf32, #tpu.memory_space<vmem>>) target_semaphore(%arg13 : memref<!tpu.dma_semaphore, #tpu.memory_space<semaphore_mem>>)
    %dma_start3A_25 = arith.constant 4096 : i32
    %dma_start3A_26 = tpu.memref_slice %arg2[%shift_right_logical3A_9, %and3A_10, %dma_start3A_25] : memref<8x8x16384xf32, #tpu.memory_space<hbm>> -> memref<1x1x4096xf32, #tpu.memory_space<hbm>>
    %dma_start3A_27 = tpu.memref_squeeze %dma_start3A_26 : memref<1x1x4096xf32, #tpu.memory_space<hbm>> -> memref<4096xf32, #tpu.memory_space<hbm>>
    %dma_start3A_28 = arith.constant 4096 : i32
    %dma_start3A_29 = tpu.memref_slice %arg2[%shift_right_logical3A_9, %and3A_10, %dma_start3A_28] : memref<8x8x16384xf32, #tpu.memory_space<hbm>> -> memref<1x1x4096xf32, #tpu.memory_space<hbm>>
    %dma_start3A_30 = tpu.memref_squeeze %dma_start3A_29 : memref<1x1x4096xf32, #tpu.memory_space<hbm>> -> memref<4096xf32, #tpu.memory_space<hbm>>
    tpu.enqueue_dma source(%dma_start3A_30 : memref<4096xf32, #tpu.memory_space<hbm>>) target(%arg10 : memref<4096xf32, #tpu.memory_space<vmem>>) target_semaphore(%arg13 : memref<!tpu.dma_semaphore, #tpu.memory_space<semaphore_mem>>)
    "tpu.region"() ({
      %run_scoped3A = tpu.sem_alloc : memref<!tpu.dma_semaphore, #tpu.memory_space<semaphore_mem>>
      %dma_start3A_453 = arith.constant 0 : i32
      %dma_start3A_454 = tpu.memref_slice %arg7[%dma_start3A_453] : memref<100096xf32, #tpu.memory_space<vmem>> -> memref<99968xf32, #tpu.memory_space<vmem>>
      %dma_start3A_455 = arith.constant 0 : i32
      %dma_start3A_456 = tpu.memref_slice %arg4[%shift_right_logical3A_9, %and3A_10, %dma_start3A_455] : memref<8x8x100000xf32, #tpu.memory_space<hbm>> -> memref<1x1x99968xf32, #tpu.memory_space<hbm>>
      %dma_start3A_457 = tpu.memref_squeeze %dma_start3A_456 : memref<1x1x99968xf32, #tpu.memory_space<hbm>> -> memref<99968xf32, #tpu.memory_space<hbm>>
      %dma_start3A_458 = arith.constant 0 : i32
      %dma_start3A_459 = tpu.memref_slice %arg7[%dma_start3A_458] : memref<100096xf32, #tpu.memory_space<vmem>> -> memref<99968xf32, #tpu.memory_space<vmem>>
      %dma_start3A_460 = arith.constant 0 : i32
      %dma_start3A_461 = tpu.memref_slice %arg4[%shift_right_logical3A_9, %and3A_10, %dma_start3A_460] : memref<8x8x100000xf32, #tpu.memory_space<hbm>> -> memref<1x1x99968xf32, #tpu.memory_space<hbm>>
      %dma_start3A_462 = tpu.memref_squeeze %dma_start3A_461 : memref<1x1x99968xf32, #tpu.memory_space<hbm>> -> memref<99968xf32, #tpu.memory_space<hbm>>
      tpu.enqueue_dma source(%dma_start3A_462 : memref<99968xf32, #tpu.memory_space<hbm>>) target(%dma_start3A_459 : memref<99968xf32, #tpu.memory_space<vmem>>) target_semaphore(%run_scoped3A : memref<!tpu.dma_semaphore, #tpu.memory_space<semaphore_mem>>)
      %dma_wait3A_463 = arith.constant 0 : i32
      %dma_wait3A_464 = tpu.memref_slice %arg7[%dma_wait3A_463] : memref<100096xf32, #tpu.memory_space<vmem>> -> memref<99968xf32, #tpu.memory_space<vmem>>
      %dma_wait3A_465 = arith.constant 0 : i32
      %dma_wait3A_466 = tpu.memref_slice %arg4[%shift_right_logical3A_9, %and3A_10, %dma_wait3A_465] : memref<8x8x100000xf32, #tpu.memory_space<hbm>> -> memref<1x1x99968xf32, #tpu.memory_space<hbm>>
      %dma_wait3A_467 = tpu.memref_squeeze %dma_wait3A_466 : memref<1x1x99968xf32, #tpu.memory_space<hbm>> -> memref<99968xf32, #tpu.memory_space<hbm>>
      %dma_wait3A_468 = arith.constant 0 : i32
      %dma_wait3A_469 = tpu.memref_slice %arg7[%dma_wait3A_468] : memref<100096xf32, #tpu.memory_space<vmem>> -> memref<99968xf32, #tpu.memory_space<vmem>>
      %dma_wait3A_470 = arith.constant 0 : i32
      %dma_wait3A_471 = tpu.memref_slice %arg4[%shift_right_logical3A_9, %and3A_10, %dma_wait3A_470] : memref<8x8x100000xf32, #tpu.memory_space<hbm>> -> memref<1x1x99968xf32, #tpu.memory_space<hbm>>
      %dma_wait3A_472 = tpu.memref_squeeze %dma_wait3A_471 : memref<1x1x99968xf32, #tpu.memory_space<hbm>> -> memref<99968xf32, #tpu.memory_space<hbm>>
      tpu.wait_dma2 semaphore(%run_scoped3A : memref<!tpu.dma_semaphore, #tpu.memory_space<semaphore_mem>>) src(%dma_wait3A_472 : memref<99968xf32, #tpu.memory_space<hbm>>) dst(%dma_wait3A_469 : memref<99968xf32, #tpu.memory_space<vmem>>)
      tpu.yield
    }) : () -> ()
    "tpu.region"() ({
      %run_scoped3A = tpu.sem_alloc : memref<!tpu.dma_semaphore, #tpu.memory_space<semaphore_mem>>
      %dma_start3A_453 = arith.constant 99968 : i32
      %dma_start3A_454 = tpu.memref_slice %arg7[%dma_start3A_453] : memref<100096xf32, #tpu.memory_space<vmem>> -> memref<128xf32, #tpu.memory_space<vmem>>
      %dma_start3A_455 = arith.constant 0 : i32
      %dma_start3A_456 = tpu.memref_slice %arg5[%shift_right_logical3A_9, %and3A_10, %dma_start3A_455] : memref<8x8x128xf32, #tpu.memory_space<hbm>> -> memref<1x1x128xf32, #tpu.memory_space<hbm>>
      %dma_start3A_457 = tpu.memref_squeeze %dma_start3A_456 : memref<1x1x128xf32, #tpu.memory_space<hbm>> -> memref<128xf32, #tpu.memory_space<hbm>>
      %dma_start3A_458 = arith.constant 99968 : i32
      %dma_start3A_459 = tpu.memref_slice %arg7[%dma_start3A_458] : memref<100096xf32, #tpu.memory_space<vmem>> -> memref<128xf32, #tpu.memory_space<vmem>>
      %dma_start3A_460 = arith.constant 0 : i32
      %dma_start3A_461 = tpu.memref_slice %arg5[%shift_right_logical3A_9, %and3A_10, %dma_start3A_460] : memref<8x8x128xf32, #tpu.memory_space<hbm>> -> memref<1x1x128xf32, #tpu.memory_space<hbm>>
      %dma_start3A_462 = tpu.memref_squeeze %dma_start3A_461 : memref<1x1x128xf32, #tpu.memory_space<hbm>> -> memref<128xf32, #tpu.memory_space<hbm>>
      tpu.enqueue_dma source(%dma_start3A_462 : memref<128xf32, #tpu.memory_space<hbm>>) target(%dma_start3A_459 : memref<128xf32, #tpu.memory_space<vmem>>) target_semaphore(%run_scoped3A : memref<!tpu.dma_semaphore, #tpu.memory_space<semaphore_mem>>)
      %dma_wait3A_463 = arith.constant 99968 : i32
      %dma_wait3A_464 = tpu.memref_slice %arg7[%dma_wait3A_463] : memref<100096xf32, #tpu.memory_space<vmem>> -> memref<128xf32, #tpu.memory_space<vmem>>
      %dma_wait3A_465 = arith.constant 0 : i32
      %dma_wait3A_466 = tpu.memref_slice %arg5[%shift_right_logical3A_9, %and3A_10, %dma_wait3A_465] : memref<8x8x128xf32, #tpu.memory_space<hbm>> -> memref<1x1x128xf32, #tpu.memory_space<hbm>>
      %dma_wait3A_467 = tpu.memref_squeeze %dma_wait3A_466 : memref<1x1x128xf32, #tpu.memory_space<hbm>> -> memref<128xf32, #tpu.memory_space<hbm>>
      %dma_wait3A_468 = arith.constant 99968 : i32
      %dma_wait3A_469 = tpu.memref_slice %arg7[%dma_wait3A_468] : memref<100096xf32, #tpu.memory_space<vmem>> -> memref<128xf32, #tpu.memory_space<vmem>>
      %dma_wait3A_470 = arith.constant 0 : i32
      %dma_wait3A_471 = tpu.memref_slice %arg5[%shift_right_logical3A_9, %and3A_10, %dma_wait3A_470] : memref<8x8x128xf32, #tpu.memory_space<hbm>> -> memref<1x1x128xf32, #tpu.memory_space<hbm>>
      %dma_wait3A_472 = tpu.memref_squeeze %dma_wait3A_471 : memref<1x1x128xf32, #tpu.memory_space<hbm>> -> memref<128xf32, #tpu.memory_space<hbm>>
      tpu.wait_dma2 semaphore(%run_scoped3A : memref<!tpu.dma_semaphore, #tpu.memory_space<semaphore_mem>>) src(%dma_wait3A_472 : memref<128xf32, #tpu.memory_space<hbm>>) dst(%dma_wait3A_469 : memref<128xf32, #tpu.memory_space<vmem>>)
      tpu.yield
    }) : () -> ()
    %dma_wait3A = arith.constant 0 : i32
    %dma_wait3A_31 = tpu.memref_slice %arg3[%dma_wait3A] : memref<16384xi32, #tpu.memory_space<hbm>> -> memref<16384xi32, #tpu.memory_space<hbm>>
    %dma_wait3A_32 = arith.constant 0 : i32
    %dma_wait3A_33 = tpu.memref_slice %arg3[%dma_wait3A_32] : memref<16384xi32, #tpu.memory_space<hbm>> -> memref<16384xi32, #tpu.memory_space<hbm>>
    tpu.wait_dma2 semaphore(%arg12 : memref<!tpu.dma_semaphore, #tpu.memory_space<semaphore_mem>>) src(%dma_wait3A_33 : memref<16384xi32, #tpu.memory_space<hbm>>) dst(%arg8 : memref<16384xi32, #tpu.memory_space<vmem>>)
    %scan3A = arith.constant 0 : i32
    %scan3A_34 = arith.constant 2 : i32
    %scan3A_35 = arith.addi %scan3A, %scan3A_34 : i32
    %scan3A_36 = arith.constant 1 : i32
    %scan3A_37:4 = scf.for %scan3A_453 = %scan3A to %scan3A_35 step %scan3A_36 iter_args(%scan3A_454 = %broadcast_in_dim3A_1, %scan3A_455 = %broadcast_in_dim3A_1, %scan3A_456 = %broadcast_in_dim3A_1, %scan3A_457 = %broadcast_in_dim3A_1) -> (vector<16xf32>, vector<16xf32>, vector<16xf32>, vector<16xf32>)  : i32 {
      %dma_wait3A_458 = arith.constant 0 : i32
      %dma_wait3A_459 = tpu.memref_slice %arg2[%shift_right_logical3A_9, %and3A_10, %dma_wait3A_458] : memref<8x8x16384xf32, #tpu.memory_space<hbm>> -> memref<1x1x4096xf32, #tpu.memory_space<hbm>>
      %dma_wait3A_460 = tpu.memref_squeeze %dma_wait3A_459 : memref<1x1x4096xf32, #tpu.memory_space<hbm>> -> memref<4096xf32, #tpu.memory_space<hbm>>
      %dma_wait3A_461 = arith.constant 0 : i32
      %dma_wait3A_462 = tpu.memref_slice %arg2[%shift_right_logical3A_9, %and3A_10, %dma_wait3A_461] : memref<8x8x16384xf32, #tpu.memory_space<hbm>> -> memref<1x1x4096xf32, #tpu.memory_space<hbm>>
      %dma_wait3A_463 = tpu.memref_squeeze %dma_wait3A_462 : memref<1x1x4096xf32, #tpu.memory_space<hbm>> -> memref<4096xf32, #tpu.memory_space<hbm>>
      tpu.wait_dma2 semaphore(%arg13 : memref<!tpu.dma_semaphore, #tpu.memory_space<semaphore_mem>>) src(%dma_wait3A_463 : memref<4096xf32, #tpu.memory_space<hbm>>) dst(%arg9 : memref<4096xf32, #tpu.memory_space<vmem>>)
      %mul3A_464 = arith.constant 2 : i32
      %mul3A_465 = arith.muli %mul3A_464, %scan3A_453 : i32
      %add3A_466 = arith.constant 0 : i32
      %add3A_467 = arith.addi %mul3A_465, %add3A_466 : i32
      %mul3A_468 = arith.constant 4096 : i32
      %mul3A_469 = arith.muli %add3A_467, %mul3A_468 : i32
      %scan3A_470 = arith.constant 0 : i32
      %scan3A_471 = arith.constant 64 : i32
      %scan3A_472 = arith.addi %scan3A_470, %scan3A_471 : i32
      %scan3A_473 = arith.constant 1 : i32
      %scan3A_474:4 = scf.for %scan3A_505 = %scan3A_470 to %scan3A_472 step %scan3A_473 iter_args(%scan3A_506 = %scan3A_454, %scan3A_507 = %scan3A_455, %scan3A_508 = %scan3A_456, %scan3A_509 = %scan3A_457) -> (vector<16xf32>, vector<16xf32>, vector<16xf32>, vector<16xf32>)  : i32 {
        %mul3A_510 = arith.constant 4 : i32
        %mul3A_511 = arith.muli %scan3A_505, %mul3A_510 : i32
        %add3A_512 = arith.constant 0 : i32
        %add3A_513 = arith.addi %mul3A_511, %add3A_512 : i32
        %mul3A_514 = arith.constant 16 : i32
        %mul3A_515 = arith.muli %add3A_513, %mul3A_514 : i32
        %add3A_516 = arith.addi %mul3A_469, %mul3A_515 : i32
        %get3A = arith.index_cast %add3A_516 : i32 to index
        %get3A_517 = tpu.vector_load %arg8[%get3A] {strides = array<i32>} : memref<16384xi32, #tpu.memory_space<vmem>>, vector<16xi32>,
        %gather3A = tpu.vector_load_idx %arg7[%get3A_517] : memref<100096xf32, #tpu.memory_space<vmem>>[vector<16xi32>], vector<16xf32>,
        %mul3A_518 = arith.constant 4 : i32
        %mul3A_519 = arith.muli %scan3A_505, %mul3A_518 : i32
        %add3A_520 = arith.constant 0 : i32
        %add3A_521 = arith.addi %mul3A_519, %add3A_520 : i32
        %mul3A_522 = arith.constant 16 : i32
        %mul3A_523 = arith.muli %add3A_521, %mul3A_522 : i32
        %get3A_524 = arith.index_cast %mul3A_523 : i32 to index
        %get3A_525 = tpu.vector_load %arg9[%get3A_524] {strides = array<i32>} : memref<4096xf32, #tpu.memory_space<vmem>>, vector<16xf32>,
        %sub3A = arith.subf %get3A_525, %gather3A : vector<16xf32>
        %mul3A_526 = arith.mulf %sub3A, %sub3A : vector<16xf32>
        %add3A_527 = arith.addf %scan3A_506, %mul3A_526 : vector<16xf32>
        %mul3A_528 = arith.constant 4 : i32
        %mul3A_529 = arith.muli %scan3A_505, %mul3A_528 : i32
        %add3A_530 = arith.constant 1 : i32
        %add3A_531 = arith.addi %mul3A_529, %add3A_530 : i32
        %mul3A_532 = arith.constant 16 : i32
        %mul3A_533 = arith.muli %add3A_531, %mul3A_532 : i32
        %add3A_534 = arith.addi %mul3A_469, %mul3A_533 : i32
        %get3A_535 = arith.index_cast %add3A_534 : i32 to index
        %get3A_536 = tpu.vector_load %arg8[%get3A_535] {strides = array<i32>} : memref<16384xi32, #tpu.memory_space<vmem>>, vector<16xi32>,
        %gather3A_537 = tpu.vector_load_idx %arg7[%get3A_536] : memref<100096xf32, #tpu.memory_space<vmem>>[vector<16xi32>], vector<16xf32>,
        %mul3A_538 = arith.constant 4 : i32
        %mul3A_539 = arith.muli %scan3A_505, %mul3A_538 : i32
        %add3A_540 = arith.constant 1 : i32
        %add3A_541 = arith.addi %mul3A_539, %add3A_540 : i32
        %mul3A_542 = arith.constant 16 : i32
        %mul3A_543 = arith.muli %add3A_541, %mul3A_542 : i32
        %get3A_544 = arith.index_cast %mul3A_543 : i32 to index
        %get3A_545 = tpu.vector_load %arg9[%get3A_544] {strides = array<i32>} : memref<4096xf32, #tpu.memory_space<vmem>>, vector<16xf32>,
        %sub3A_546 = arith.subf %get3A_545, %gather3A_537 : vector<16xf32>
        %mul3A_547 = arith.mulf %sub3A_546, %sub3A_546 : vector<16xf32>
        %add3A_548 = arith.addf %scan3A_507, %mul3A_547 : vector<16xf32>
        %mul3A_549 = arith.constant 4 : i32
        %mul3A_550 = arith.muli %scan3A_505, %mul3A_549 : i32
        %add3A_551 = arith.constant 2 : i32
        %add3A_552 = arith.addi %mul3A_550, %add3A_551 : i32
        %mul3A_553 = arith.constant 16 : i32
        %mul3A_554 = arith.muli %add3A_552, %mul3A_553 : i32
        %add3A_555 = arith.addi %mul3A_469, %mul3A_554 : i32
        %get3A_556 = arith.index_cast %add3A_555 : i32 to index
        %get3A_557 = tpu.vector_load %arg8[%get3A_556] {strides = array<i32>} : memref<16384xi32, #tpu.memory_space<vmem>>, vector<16xi32>,
        %gather3A_558 = tpu.vector_load_idx %arg7[%get3A_557] : memref<100096xf32, #tpu.memory_space<vmem>>[vector<16xi32>], vector<16xf32>,
        %mul3A_559 = arith.constant 4 : i32
        %mul3A_560 = arith.muli %scan3A_505, %mul3A_559 : i32
        %add3A_561 = arith.constant 2 : i32
        %add3A_562 = arith.addi %mul3A_560, %add3A_561 : i32
        %mul3A_563 = arith.constant 16 : i32
        %mul3A_564 = arith.muli %add3A_562, %mul3A_563 : i32
        %get3A_565 = arith.index_cast %mul3A_564 : i32 to index
        %get3A_566 = tpu.vector_load %arg9[%get3A_565] {strides = array<i32>} : memref<4096xf32, #tpu.memory_space<vmem>>, vector<16xf32>,
        %sub3A_567 = arith.subf %get3A_566, %gather3A_558 : vector<16xf32>
        %mul3A_568 = arith.mulf %sub3A_567, %sub3A_567 : vector<16xf32>
        %add3A_569 = arith.addf %scan3A_508, %mul3A_568 : vector<16xf32>
        %mul3A_570 = arith.constant 4 : i32
        %mul3A_571 = arith.muli %scan3A_505, %mul3A_570 : i32
        %add3A_572 = arith.constant 3 : i32
        %add3A_573 = arith.addi %mul3A_571, %add3A_572 : i32
        %mul3A_574 = arith.constant 16 : i32
        %mul3A_575 = arith.muli %add3A_573, %mul3A_574 : i32
        %add3A_576 = arith.addi %mul3A_469, %mul3A_575 : i32
        %get3A_577 = arith.index_cast %add3A_576 : i32 to index
        %get3A_578 = tpu.vector_load %arg8[%get3A_577] {strides = array<i32>} : memref<16384xi32, #tpu.memory_space<vmem>>, vector<16xi32>,
        %gather3A_579 = tpu.vector_load_idx %arg7[%get3A_578] : memref<100096xf32, #tpu.memory_space<vmem>>[vector<16xi32>], vector<16xf32>,
        %mul3A_580 = arith.constant 4 : i32
        %mul3A_581 = arith.muli %scan3A_505, %mul3A_580 : i32
        %add3A_582 = arith.constant 3 : i32
        %add3A_583 = arith.addi %mul3A_581, %add3A_582 : i32
        %mul3A_584 = arith.constant 16 : i32
        %mul3A_585 = arith.muli %add3A_583, %mul3A_584 : i32
        %get3A_586 = arith.index_cast %mul3A_585 : i32 to index
        %get3A_587 = tpu.vector_load %arg9[%get3A_586] {strides = array<i32>} : memref<4096xf32, #tpu.memory_space<vmem>>, vector<16xf32>,
        %sub3A_588 = arith.subf %get3A_587, %gather3A_579 : vector<16xf32>
        %mul3A_589 = arith.mulf %sub3A_588, %sub3A_588 : vector<16xf32>
        %add3A_590 = arith.addf %scan3A_509, %mul3A_589 : vector<16xf32>
        scf.yield %add3A_527, %add3A_548, %add3A_569, %add3A_590 : vector<16xf32>, vector<16xf32>, vector<16xf32>, vector<16xf32>
      }
      %scan3A_475 = arith.constant 64 : i32
      %add3A_476 = arith.constant 1 : i32
      %add3A_477 = arith.addi %scan3A_453, %add3A_476 : i32
      %lt3A = arith.constant 2 : i32
      %lt3A_478 = arith.cmpi slt, %add3A_477, %lt3A : i32
      %convert_element_type3A = arith.extui %lt3A_478 : i1 to i32
      %cond3A = arith.constant 0 : i32
      %cond3A_479 = arith.cmpi ne, %convert_element_type3A, %cond3A : i32
      scf.if %cond3A_479 {
        %mul3A_505 = arith.constant 2 : i32
        %mul3A_506 = arith.muli %mul3A_505, %scan3A_453 : i32
        %add3A_507 = arith.constant 2 : i32
        %add3A_508 = arith.addi %mul3A_506, %add3A_507 : i32
        %add3A_509 = arith.constant 0 : i32
        %add3A_510 = arith.addi %add3A_508, %add3A_509 : i32
        %mul3A_511 = arith.constant 4096 : i32
        %mul3A_512 = arith.muli %add3A_510, %mul3A_511 : i32
        %dma_start3A_513 = tpu.memref_slice %arg2[%shift_right_logical3A_9, %and3A_10, %mul3A_512] : memref<8x8x16384xf32, #tpu.memory_space<hbm>> -> memref<1x1x4096xf32, #tpu.memory_space<hbm>>
        %dma_start3A_514 = tpu.memref_squeeze %dma_start3A_513 : memref<1x1x4096xf32, #tpu.memory_space<hbm>> -> memref<4096xf32, #tpu.memory_space<hbm>>
        %dma_start3A_515 = tpu.memref_slice %arg2[%shift_right_logical3A_9, %and3A_10, %mul3A_512] : memref<8x8x16384xf32, #tpu.memory_space<hbm>> -> memref<1x1x4096xf32, #tpu.memory_space<hbm>>
        %dma_start3A_516 = tpu.memref_squeeze %dma_start3A_515 : memref<1x1x4096xf32, #tpu.memory_space<hbm>> -> memref<4096xf32, #tpu.memory_space<hbm>>
        tpu.enqueue_dma source(%dma_start3A_516 : memref<4096xf32, #tpu.memory_space<hbm>>) target(%arg9 : memref<4096xf32, #tpu.memory_space<vmem>>) target_semaphore(%arg13 : memref<!tpu.dma_semaphore, #tpu.memory_space<semaphore_mem>>)
      } else {
      }
      %dma_wait3A_480 = arith.constant 0 : i32
      %dma_wait3A_481 = tpu.memref_slice %arg2[%shift_right_logical3A_9, %and3A_10, %dma_wait3A_480] : memref<8x8x16384xf32, #tpu.memory_space<hbm>> -> memref<1x1x4096xf32, #tpu.memory_space<hbm>>
      %dma_wait3A_482 = tpu.memref_squeeze %dma_wait3A_481 : memref<1x1x4096xf32, #tpu.memory_space<hbm>> -> memref<4096xf32, #tpu.memory_space<hbm>>
      %dma_wait3A_483 = arith.constant 0 : i32
      %dma_wait3A_484 = tpu.memref_slice %arg2[%shift_right_logical3A_9, %and3A_10, %dma_wait3A_483] : memref<8x8x16384xf32, #tpu.memory_space<hbm>> -> memref<1x1x4096xf32, #tpu.memory_space<hbm>>
      %dma_wait3A_485 = tpu.memref_squeeze %dma_wait3A_484 : memref<1x1x4096xf32, #tpu.memory_space<hbm>> -> memref<4096xf32, #tpu.memory_space<hbm>>
      tpu.wait_dma2 semaphore(%arg13 : memref<!tpu.dma_semaphore, #tpu.memory_space<semaphore_mem>>) src(%dma_wait3A_485 : memref<4096xf32, #tpu.memory_space<hbm>>) dst(%arg10 : memref<4096xf32, #tpu.memory_space<vmem>>)
      %mul3A_486 = arith.constant 2 : i32
      %mul3A_487 = arith.muli %mul3A_486, %scan3A_453 : i32
      %add3A_488 = arith.constant 1 : i32
      %add3A_489 = arith.addi %mul3A_487, %add3A_488 : i32
      %mul3A_490 = arith.constant 4096 : i32
      %mul3A_491 = arith.muli %add3A_489, %mul3A_490 : i32
      %scan3A_492 = arith.constant 0 : i32
      %scan3A_493 = arith.constant 64 : i32
      %scan3A_494 = arith.addi %scan3A_492, %scan3A_493 : i32
      %scan3A_495 = arith.constant 1 : i32
      %scan3A_496:4 = scf.for %scan3A_505 = %scan3A_492 to %scan3A_494 step %scan3A_495 iter_args(%scan3A_506 = %scan3A_474#0, %scan3A_507 = %scan3A_474#1, %scan3A_508 = %scan3A_474#2, %scan3A_509 = %scan3A_474#3) -> (vector<16xf32>, vector<16xf32>, vector<16xf32>, vector<16xf32>)  : i32 {
        %mul3A_510 = arith.constant 4 : i32
        %mul3A_511 = arith.muli %scan3A_505, %mul3A_510 : i32
        %add3A_512 = arith.constant 0 : i32
        %add3A_513 = arith.addi %mul3A_511, %add3A_512 : i32
        %mul3A_514 = arith.constant 16 : i32
        %mul3A_515 = arith.muli %add3A_513, %mul3A_514 : i32
        %add3A_516 = arith.addi %mul3A_491, %mul3A_515 : i32
        %get3A = arith.index_cast %add3A_516 : i32 to index
        %get3A_517 = tpu.vector_load %arg8[%get3A] {strides = array<i32>} : memref<16384xi32, #tpu.memory_space<vmem>>, vector<16xi32>,
        %gather3A = tpu.vector_load_idx %arg7[%get3A_517] : memref<100096xf32, #tpu.memory_space<vmem>>[vector<16xi32>], vector<16xf32>,
        %mul3A_518 = arith.constant 4 : i32
        %mul3A_519 = arith.muli %scan3A_505, %mul3A_518 : i32
        %add3A_520 = arith.constant 0 : i32
        %add3A_521 = arith.addi %mul3A_519, %add3A_520 : i32
        %mul3A_522 = arith.constant 16 : i32
        %mul3A_523 = arith.muli %add3A_521, %mul3A_522 : i32
        %get3A_524 = arith.index_cast %mul3A_523 : i32 to index
        %get3A_525 = tpu.vector_load %arg10[%get3A_524] {strides = array<i32>} : memref<4096xf32, #tpu.memory_space<vmem>>, vector<16xf32>,
        %sub3A = arith.subf %get3A_525, %gather3A : vector<16xf32>
        %mul3A_526 = arith.mulf %sub3A, %sub3A : vector<16xf32>
        %add3A_527 = arith.addf %scan3A_506, %mul3A_526 : vector<16xf32>
        %mul3A_528 = arith.constant 4 : i32
        %mul3A_529 = arith.muli %scan3A_505, %mul3A_528 : i32
        %add3A_530 = arith.constant 1 : i32
        %add3A_531 = arith.addi %mul3A_529, %add3A_530 : i32
        %mul3A_532 = arith.constant 16 : i32
        %mul3A_533 = arith.muli %add3A_531, %mul3A_532 : i32
        %add3A_534 = arith.addi %mul3A_491, %mul3A_533 : i32
        %get3A_535 = arith.index_cast %add3A_534 : i32 to index
        %get3A_536 = tpu.vector_load %arg8[%get3A_535] {strides = array<i32>} : memref<16384xi32, #tpu.memory_space<vmem>>, vector<16xi32>,
        %gather3A_537 = tpu.vector_load_idx %arg7[%get3A_536] : memref<100096xf32, #tpu.memory_space<vmem>>[vector<16xi32>], vector<16xf32>,
        %mul3A_538 = arith.constant 4 : i32
        %mul3A_539 = arith.muli %scan3A_505, %mul3A_538 : i32
        %add3A_540 = arith.constant 1 : i32
        %add3A_541 = arith.addi %mul3A_539, %add3A_540 : i32
        %mul3A_542 = arith.constant 16 : i32
        %mul3A_543 = arith.muli %add3A_541, %mul3A_542 : i32
        %get3A_544 = arith.index_cast %mul3A_543 : i32 to index
        %get3A_545 = tpu.vector_load %arg10[%get3A_544] {strides = array<i32>} : memref<4096xf32, #tpu.memory_space<vmem>>, vector<16xf32>,
        %sub3A_546 = arith.subf %get3A_545, %gather3A_537 : vector<16xf32>
        %mul3A_547 = arith.mulf %sub3A_546, %sub3A_546 : vector<16xf32>
        %add3A_548 = arith.addf %scan3A_507, %mul3A_547 : vector<16xf32>
        %mul3A_549 = arith.constant 4 : i32
        %mul3A_550 = arith.muli %scan3A_505, %mul3A_549 : i32
        %add3A_551 = arith.constant 2 : i32
        %add3A_552 = arith.addi %mul3A_550, %add3A_551 : i32
        %mul3A_553 = arith.constant 16 : i32
        %mul3A_554 = arith.muli %add3A_552, %mul3A_553 : i32
        %add3A_555 = arith.addi %mul3A_491, %mul3A_554 : i32
        %get3A_556 = arith.index_cast %add3A_555 : i32 to index
        %get3A_557 = tpu.vector_load %arg8[%get3A_556] {strides = array<i32>} : memref<16384xi32, #tpu.memory_space<vmem>>, vector<16xi32>,
        %gather3A_558 = tpu.vector_load_idx %arg7[%get3A_557] : memref<100096xf32, #tpu.memory_space<vmem>>[vector<16xi32>], vector<16xf32>,
        %mul3A_559 = arith.constant 4 : i32
        %mul3A_560 = arith.muli %scan3A_505, %mul3A_559 : i32
        %add3A_561 = arith.constant 2 : i32
        %add3A_562 = arith.addi %mul3A_560, %add3A_561 : i32
        %mul3A_563 = arith.constant 16 : i32
        %mul3A_564 = arith.muli %add3A_562, %mul3A_563 : i32
        %get3A_565 = arith.index_cast %mul3A_564 : i32 to index
        %get3A_566 = tpu.vector_load %arg10[%get3A_565] {strides = array<i32>} : memref<4096xf32, #tpu.memory_space<vmem>>, vector<16xf32>,
        %sub3A_567 = arith.subf %get3A_566, %gather3A_558 : vector<16xf32>
        %mul3A_568 = arith.mulf %sub3A_567, %sub3A_567 : vector<16xf32>
        %add3A_569 = arith.addf %scan3A_508, %mul3A_568 : vector<16xf32>
        %mul3A_570 = arith.constant 4 : i32
        %mul3A_571 = arith.muli %scan3A_505, %mul3A_570 : i32
        %add3A_572 = arith.constant 3 : i32
        %add3A_573 = arith.addi %mul3A_571, %add3A_572 : i32
        %mul3A_574 = arith.constant 16 : i32
        %mul3A_575 = arith.muli %add3A_573, %mul3A_574 : i32
        %add3A_576 = arith.addi %mul3A_491, %mul3A_575 : i32
        %get3A_577 = arith.index_cast %add3A_576 : i32 to index
        %get3A_578 = tpu.vector_load %arg8[%get3A_577] {strides = array<i32>} : memref<16384xi32, #tpu.memory_space<vmem>>, vector<16xi32>,
        %gather3A_579 = tpu.vector_load_idx %arg7[%get3A_578] : memref<100096xf32, #tpu.memory_space<vmem>>[vector<16xi32>], vector<16xf32>,
        %mul3A_580 = arith.constant 4 : i32
        %mul3A_581 = arith.muli %scan3A_505, %mul3A_580 : i32
        %add3A_582 = arith.constant 3 : i32
        %add3A_583 = arith.addi %mul3A_581, %add3A_582 : i32
        %mul3A_584 = arith.constant 16 : i32
        %mul3A_585 = arith.muli %add3A_583, %mul3A_584 : i32
        %get3A_586 = arith.index_cast %mul3A_585 : i32 to index
        %get3A_587 = tpu.vector_load %arg10[%get3A_586] {strides = array<i32>} : memref<4096xf32, #tpu.memory_space<vmem>>, vector<16xf32>,
        %sub3A_588 = arith.subf %get3A_587, %gather3A_579 : vector<16xf32>
        %mul3A_589 = arith.mulf %sub3A_588, %sub3A_588 : vector<16xf32>
        %add3A_590 = arith.addf %scan3A_509, %mul3A_589 : vector<16xf32>
        scf.yield %add3A_527, %add3A_548, %add3A_569, %add3A_590 : vector<16xf32>, vector<16xf32>, vector<16xf32>, vector<16xf32>
      }
      %scan3A_497 = arith.constant 64 : i32
      %add3A_498 = arith.constant 1 : i32
      %add3A_499 = arith.addi %scan3A_453, %add3A_498 : i32
      %lt3A_500 = arith.constant 2 : i32
      %lt3A_501 = arith.cmpi slt, %add3A_499, %lt3A_500 : i32
      %convert_element_type3A_502 = arith.extui %lt3A_501 : i1 to i32
      %cond3A_503 = arith.constant 0 : i32
      %cond3A_504 = arith.cmpi ne, %convert_element_type3A_502, %cond3A_503 : i32
      scf.if %cond3A_504 {
        %mul3A_505 = arith.constant 2 : i32
        %mul3A_506 = arith.muli %mul3A_505, %scan3A_453 : i32
        %add3A_507 = arith.constant 2 : i32
        %add3A_508 = arith.addi %mul3A_506, %add3A_507 : i32
        %add3A_509 = arith.constant 1 : i32
        %add3A_510 = arith.addi %add3A_508, %add3A_509 : i32
        %mul3A_511 = arith.constant 4096 : i32
        %mul3A_512 = arith.muli %add3A_510, %mul3A_511 : i32
        %dma_start3A_513 = tpu.memref_slice %arg2[%shift_right_logical3A_9, %and3A_10, %mul3A_512] : memref<8x8x16384xf32, #tpu.memory_space<hbm>> -> memref<1x1x4096xf32, #tpu.memory_space<hbm>>
        %dma_start3A_514 = tpu.memref_squeeze %dma_start3A_513 : memref<1x1x4096xf32, #tpu.memory_space<hbm>> -> memref<4096xf32, #tpu.memory_space<hbm>>
        %dma_start3A_515 = tpu.memref_slice %arg2[%shift_right_logical3A_9, %and3A_10, %mul3A_512] : memref<8x8x16384xf32, #tpu.memory_space<hbm>> -> memref<1x1x4096xf32, #tpu.memory_space<hbm>>
        %dma_start3A_516 = tpu.memref_squeeze %dma_start3A_515 : memref<1x1x4096xf32, #tpu.memory_space<hbm>> -> memref<4096xf32, #tpu.memory_space<hbm>>
        tpu.enqueue_dma source(%dma_start3A_516 : memref<4096xf32, #tpu.memory_space<hbm>>) target(%arg10 : memref<4096xf32, #tpu.memory_space<vmem>>) target_semaphore(%arg13 : memref<!tpu.dma_semaphore, #tpu.memory_space<semaphore_mem>>)
      } else {
      }
      scf.yield %scan3A_496#0, %scan3A_496#1, %scan3A_496#2, %scan3A_496#3 : vector<16xf32>, vector<16xf32>, vector<16xf32>, vector<16xf32>
    }
    %scan3A_38 = arith.constant 2 : i32
    %add3A_39 = arith.addf %scan3A_37#0, %scan3A_37#1 : vector<16xf32>
    %add3A_40 = arith.addf %scan3A_37#2, %scan3A_37#3 : vector<16xf32>
    %add3A_41 = arith.addf %add3A_39, %add3A_40 : vector<16xf32>
    %dma_start3A_42 = arith.constant 0 : i32
    %dma_start3A_43 = tpu.memref_slice %arg2[%shift_right_logical3A_16, %and3A_18, %dma_start3A_42] : memref<8x8x16384xf32, #tpu.memory_space<hbm>> -> memref<1x1x4096xf32, #tpu.memory_space<hbm>>
    %dma_start3A_44 = tpu.memref_squeeze %dma_start3A_43 : memref<1x1x4096xf32, #tpu.memory_space<hbm>> -> memref<4096xf32, #tpu.memory_space<hbm>>
    %dma_start3A_45 = arith.constant 0 : i32
    %dma_start3A_46 = tpu.memref_slice %arg2[%shift_right_logical3A_16, %and3A_18, %dma_start3A_45] : memref<8x8x16384xf32, #tpu.memory_space<hbm>> -> memref<1x1x4096xf32, #tpu.memory_space<hbm>>
    %dma_start3A_47 = tpu.memref_squeeze %dma_start3A_46 : memref<1x1x4096xf32, #tpu.memory_space<hbm>> -> memref<4096xf32, #tpu.memory_space<hbm>>
    tpu.enqueue_dma source(%dma_start3A_47 : memref<4096xf32, #tpu.memory_space<hbm>>) target(%arg9 : memref<4096xf32, #tpu.memory_space<vmem>>) target_semaphore(%arg13 : memref<!tpu.dma_semaphore, #tpu.memory_space<semaphore_mem>>)
    %dma_start3A_48 = arith.constant 4096 : i32
    %dma_start3A_49 = tpu.memref_slice %arg2[%shift_right_logical3A_16, %and3A_18, %dma_start3A_48] : memref<8x8x16384xf32, #tpu.memory_space<hbm>> -> memref<1x1x4096xf32, #tpu.memory_space<hbm>>
    %dma_start3A_50 = tpu.memref_squeeze %dma_start3A_49 : memref<1x1x4096xf32, #tpu.memory_space<hbm>> -> memref<4096xf32, #tpu.memory_space<hbm>>
    %dma_start3A_51 = arith.constant 4096 : i32
    %dma_start3A_52 = tpu.memref_slice %arg2[%shift_right_logical3A_16, %and3A_18, %dma_start3A_51] : memref<8x8x16384xf32, #tpu.memory_space<hbm>> -> memref<1x1x4096xf32, #tpu.memory_space<hbm>>
    %dma_start3A_53 = tpu.memref_squeeze %dma_start3A_52 : memref<1x1x4096xf32, #tpu.memory_space<hbm>> -> memref<4096xf32, #tpu.memory_space<hbm>>
    tpu.enqueue_dma source(%dma_start3A_53 : memref<4096xf32, #tpu.memory_space<hbm>>) target(%arg10 : memref<4096xf32, #tpu.memory_space<vmem>>) target_semaphore(%arg13 : memref<!tpu.dma_semaphore, #tpu.memory_space<semaphore_mem>>)
    "tpu.region"() ({
      %run_scoped3A = tpu.sem_alloc : memref<!tpu.dma_semaphore, #tpu.memory_space<semaphore_mem>>
      %dma_start3A_453 = arith.constant 0 : i32
      %dma_start3A_454 = tpu.memref_slice %arg7[%dma_start3A_453] : memref<100096xf32, #tpu.memory_space<vmem>> -> memref<99968xf32, #tpu.memory_space<vmem>>
      %dma_start3A_455 = arith.constant 0 : i32
      %dma_start3A_456 = tpu.memref_slice %arg4[%shift_right_logical3A_16, %and3A_18, %dma_start3A_455] : memref<8x8x100000xf32, #tpu.memory_space<hbm>> -> memref<1x1x99968xf32, #tpu.memory_space<hbm>>
      %dma_start3A_457 = tpu.memref_squeeze %dma_start3A_456 : memref<1x1x99968xf32, #tpu.memory_space<hbm>> -> memref<99968xf32, #tpu.memory_space<hbm>>
      %dma_start3A_458 = arith.constant 0 : i32
      %dma_start3A_459 = tpu.memref_slice %arg7[%dma_start3A_458] : memref<100096xf32, #tpu.memory_space<vmem>> -> memref<99968xf32, #tpu.memory_space<vmem>>
      %dma_start3A_460 = arith.constant 0 : i32
      %dma_start3A_461 = tpu.memref_slice %arg4[%shift_right_logical3A_16, %and3A_18, %dma_start3A_460] : memref<8x8x100000xf32, #tpu.memory_space<hbm>> -> memref<1x1x99968xf32, #tpu.memory_space<hbm>>
      %dma_start3A_462 = tpu.memref_squeeze %dma_start3A_461 : memref<1x1x99968xf32, #tpu.memory_space<hbm>> -> memref<99968xf32, #tpu.memory_space<hbm>>
      tpu.enqueue_dma source(%dma_start3A_462 : memref<99968xf32, #tpu.memory_space<hbm>>) target(%dma_start3A_459 : memref<99968xf32, #tpu.memory_space<vmem>>) target_semaphore(%run_scoped3A : memref<!tpu.dma_semaphore, #tpu.memory_space<semaphore_mem>>)
      %dma_wait3A_463 = arith.constant 0 : i32
      %dma_wait3A_464 = tpu.memref_slice %arg7[%dma_wait3A_463] : memref<100096xf32, #tpu.memory_space<vmem>> -> memref<99968xf32, #tpu.memory_space<vmem>>
      %dma_wait3A_465 = arith.constant 0 : i32
      %dma_wait3A_466 = tpu.memref_slice %arg4[%shift_right_logical3A_16, %and3A_18, %dma_wait3A_465] : memref<8x8x100000xf32, #tpu.memory_space<hbm>> -> memref<1x1x99968xf32, #tpu.memory_space<hbm>>
      %dma_wait3A_467 = tpu.memref_squeeze %dma_wait3A_466 : memref<1x1x99968xf32, #tpu.memory_space<hbm>> -> memref<99968xf32, #tpu.memory_space<hbm>>
      %dma_wait3A_468 = arith.constant 0 : i32
      %dma_wait3A_469 = tpu.memref_slice %arg7[%dma_wait3A_468] : memref<100096xf32, #tpu.memory_space<vmem>> -> memref<99968xf32, #tpu.memory_space<vmem>>
      %dma_wait3A_470 = arith.constant 0 : i32
      %dma_wait3A_471 = tpu.memref_slice %arg4[%shift_right_logical3A_16, %and3A_18, %dma_wait3A_470] : memref<8x8x100000xf32, #tpu.memory_space<hbm>> -> memref<1x1x99968xf32, #tpu.memory_space<hbm>>
      %dma_wait3A_472 = tpu.memref_squeeze %dma_wait3A_471 : memref<1x1x99968xf32, #tpu.memory_space<hbm>> -> memref<99968xf32, #tpu.memory_space<hbm>>
      tpu.wait_dma2 semaphore(%run_scoped3A : memref<!tpu.dma_semaphore, #tpu.memory_space<semaphore_mem>>) src(%dma_wait3A_472 : memref<99968xf32, #tpu.memory_space<hbm>>) dst(%dma_wait3A_469 : memref<99968xf32, #tpu.memory_space<vmem>>)
      tpu.yield
    }) : () -> ()
    "tpu.region"() ({
      %run_scoped3A = tpu.sem_alloc : memref<!tpu.dma_semaphore, #tpu.memory_space<semaphore_mem>>
      %dma_start3A_453 = arith.constant 99968 : i32
      %dma_start3A_454 = tpu.memref_slice %arg7[%dma_start3A_453] : memref<100096xf32, #tpu.memory_space<vmem>> -> memref<128xf32, #tpu.memory_space<vmem>>
      %dma_start3A_455 = arith.constant 0 : i32
      %dma_start3A_456 = tpu.memref_slice %arg5[%shift_right_logical3A_16, %and3A_18, %dma_start3A_455] : memref<8x8x128xf32, #tpu.memory_space<hbm>> -> memref<1x1x128xf32, #tpu.memory_space<hbm>>
      %dma_start3A_457 = tpu.memref_squeeze %dma_start3A_456 : memref<1x1x128xf32, #tpu.memory_space<hbm>> -> memref<128xf32, #tpu.memory_space<hbm>>
      %dma_start3A_458 = arith.constant 99968 : i32
      %dma_start3A_459 = tpu.memref_slice %arg7[%dma_start3A_458] : memref<100096xf32, #tpu.memory_space<vmem>> -> memref<128xf32, #tpu.memory_space<vmem>>
      %dma_start3A_460 = arith.constant 0 : i32
      %dma_start3A_461 = tpu.memref_slice %arg5[%shift_right_logical3A_16, %and3A_18, %dma_start3A_460] : memref<8x8x128xf32, #tpu.memory_space<hbm>> -> memref<1x1x128xf32, #tpu.memory_space<hbm>>
      %dma_start3A_462 = tpu.memref_squeeze %dma_start3A_461 : memref<1x1x128xf32, #tpu.memory_space<hbm>> -> memref<128xf32, #tpu.memory_space<hbm>>
      tpu.enqueue_dma source(%dma_start3A_462 : memref<128xf32, #tpu.memory_space<hbm>>) target(%dma_start3A_459 : memref<128xf32, #tpu.memory_space<vmem>>) target_semaphore(%run_scoped3A : memref<!tpu.dma_semaphore, #tpu.memory_space<semaphore_mem>>)
      %dma_wait3A_463 = arith.constant 99968 : i32
      %dma_wait3A_464 = tpu.memref_slice %arg7[%dma_wait3A_463] : memref<100096xf32, #tpu.memory_space<vmem>> -> memref<128xf32, #tpu.memory_space<vmem>>
      %dma_wait3A_465 = arith.constant 0 : i32
      %dma_wait3A_466 = tpu.memref_slice %arg5[%shift_right_logical3A_16, %and3A_18, %dma_wait3A_465] : memref<8x8x128xf32, #tpu.memory_space<hbm>> -> memref<1x1x128xf32, #tpu.memory_space<hbm>>
      %dma_wait3A_467 = tpu.memref_squeeze %dma_wait3A_466 : memref<1x1x128xf32, #tpu.memory_space<hbm>> -> memref<128xf32, #tpu.memory_space<hbm>>
      %dma_wait3A_468 = arith.constant 99968 : i32
      %dma_wait3A_469 = tpu.memref_slice %arg7[%dma_wait3A_468] : memref<100096xf32, #tpu.memory_space<vmem>> -> memref<128xf32, #tpu.memory_space<vmem>>
      %dma_wait3A_470 = arith.constant 0 : i32
      %dma_wait3A_471 = tpu.memref_slice %arg5[%shift_right_logical3A_16, %and3A_18, %dma_wait3A_470] : memref<8x8x128xf32, #tpu.memory_space<hbm>> -> memref<1x1x128xf32, #tpu.memory_space<hbm>>
      %dma_wait3A_472 = tpu.memref_squeeze %dma_wait3A_471 : memref<1x1x128xf32, #tpu.memory_space<hbm>> -> memref<128xf32, #tpu.memory_space<hbm>>
      tpu.wait_dma2 semaphore(%run_scoped3A : memref<!tpu.dma_semaphore, #tpu.memory_space<semaphore_mem>>) src(%dma_wait3A_472 : memref<128xf32, #tpu.memory_space<hbm>>) dst(%dma_wait3A_469 : memref<128xf32, #tpu.memory_space<vmem>>)
      tpu.yield
    }) : () -> ()
    %scan3A_54 = arith.constant 0 : i32
    %scan3A_55 = arith.constant 2 : i32
    %scan3A_56 = arith.addi %scan3A_54, %scan3A_55 : i32
    %scan3A_57 = arith.constant 1 : i32
    %scan3A_58:4 = scf.for %scan3A_453 = %scan3A_54 to %scan3A_56 step %scan3A_57 iter_args(%scan3A_454 = %add3A_41, %scan3A_455 = %broadcast_in_dim3A_1, %scan3A_456 = %broadcast_in_dim3A_1, %scan3A_457 = %broadcast_in_dim3A_1) -> (vector<16xf32>, vector<16xf32>, vector<16xf32>, vector<16xf32>)  : i32 {
      %dma_wait3A_458 = arith.constant 0 : i32
      %dma_wait3A_459 = tpu.memref_slice %arg2[%shift_right_logical3A_16, %and3A_18, %dma_wait3A_458] : memref<8x8x16384xf32, #tpu.memory_space<hbm>> -> memref<1x1x4096xf32, #tpu.memory_space<hbm>>
      %dma_wait3A_460 = tpu.memref_squeeze %dma_wait3A_459 : memref<1x1x4096xf32, #tpu.memory_space<hbm>> -> memref<4096xf32, #tpu.memory_space<hbm>>
      %dma_wait3A_461 = arith.constant 0 : i32
      %dma_wait3A_462 = tpu.memref_slice %arg2[%shift_right_logical3A_16, %and3A_18, %dma_wait3A_461] : memref<8x8x16384xf32, #tpu.memory_space<hbm>> -> memref<1x1x4096xf32, #tpu.memory_space<hbm>>
      %dma_wait3A_463 = tpu.memref_squeeze %dma_wait3A_462 : memref<1x1x4096xf32, #tpu.memory_space<hbm>> -> memref<4096xf32, #tpu.memory_space<hbm>>
      tpu.wait_dma2 semaphore(%arg13 : memref<!tpu.dma_semaphore, #tpu.memory_space<semaphore_mem>>) src(%dma_wait3A_463 : memref<4096xf32, #tpu.memory_space<hbm>>) dst(%arg9 : memref<4096xf32, #tpu.memory_space<vmem>>)
      %mul3A_464 = arith.constant 2 : i32
      %mul3A_465 = arith.muli %mul3A_464, %scan3A_453 : i32
      %add3A_466 = arith.constant 0 : i32
      %add3A_467 = arith.addi %mul3A_465, %add3A_466 : i32
      %mul3A_468 = arith.constant 4096 : i32
      %mul3A_469 = arith.muli %add3A_467, %mul3A_468 : i32
      %scan3A_470 = arith.constant 0 : i32
      %scan3A_471 = arith.constant 64 : i32
      %scan3A_472 = arith.addi %scan3A_470, %scan3A_471 : i32
      %scan3A_473 = arith.constant 1 : i32
      %scan3A_474:4 = scf.for %scan3A_505 = %scan3A_470 to %scan3A_472 step %scan3A_473 iter_args(%scan3A_506 = %scan3A_454, %scan3A_507 = %scan3A_455, %scan3A_508 = %scan3A_456, %scan3A_509 = %scan3A_457) -> (vector<16xf32>, vector<16xf32>, vector<16xf32>, vector<16xf32>)  : i32 {
        %mul3A_510 = arith.constant 4 : i32
        %mul3A_511 = arith.muli %scan3A_505, %mul3A_510 : i32
        %add3A_512 = arith.constant 0 : i32
        %add3A_513 = arith.addi %mul3A_511, %add3A_512 : i32
        %mul3A_514 = arith.constant 16 : i32
        %mul3A_515 = arith.muli %add3A_513, %mul3A_514 : i32
        %add3A_516 = arith.addi %mul3A_469, %mul3A_515 : i32
        %get3A = arith.index_cast %add3A_516 : i32 to index
        %get3A_517 = tpu.vector_load %arg8[%get3A] {strides = array<i32>} : memref<16384xi32, #tpu.memory_space<vmem>>, vector<16xi32>,
        %gather3A = tpu.vector_load_idx %arg7[%get3A_517] : memref<100096xf32, #tpu.memory_space<vmem>>[vector<16xi32>], vector<16xf32>,
        %mul3A_518 = arith.constant 4 : i32
        %mul3A_519 = arith.muli %scan3A_505, %mul3A_518 : i32
        %add3A_520 = arith.constant 0 : i32
        %add3A_521 = arith.addi %mul3A_519, %add3A_520 : i32
        %mul3A_522 = arith.constant 16 : i32
        %mul3A_523 = arith.muli %add3A_521, %mul3A_522 : i32
        %get3A_524 = arith.index_cast %mul3A_523 : i32 to index
        %get3A_525 = tpu.vector_load %arg9[%get3A_524] {strides = array<i32>} : memref<4096xf32, #tpu.memory_space<vmem>>, vector<16xf32>,
        %sub3A = arith.subf %get3A_525, %gather3A : vector<16xf32>
        %mul3A_526 = arith.mulf %sub3A, %sub3A : vector<16xf32>
        %add3A_527 = arith.addf %scan3A_506, %mul3A_526 : vector<16xf32>
        %mul3A_528 = arith.constant 4 : i32
        %mul3A_529 = arith.muli %scan3A_505, %mul3A_528 : i32
        %add3A_530 = arith.constant 1 : i32
        %add3A_531 = arith.addi %mul3A_529, %add3A_530 : i32
        %mul3A_532 = arith.constant 16 : i32
        %mul3A_533 = arith.muli %add3A_531, %mul3A_532 : i32
        %add3A_534 = arith.addi %mul3A_469, %mul3A_533 : i32
        %get3A_535 = arith.index_cast %add3A_534 : i32 to index
        %get3A_536 = tpu.vector_load %arg8[%get3A_535] {strides = array<i32>} : memref<16384xi32, #tpu.memory_space<vmem>>, vector<16xi32>,
        %gather3A_537 = tpu.vector_load_idx %arg7[%get3A_536] : memref<100096xf32, #tpu.memory_space<vmem>>[vector<16xi32>], vector<16xf32>,
        %mul3A_538 = arith.constant 4 : i32
        %mul3A_539 = arith.muli %scan3A_505, %mul3A_538 : i32
        %add3A_540 = arith.constant 1 : i32
        %add3A_541 = arith.addi %mul3A_539, %add3A_540 : i32
        %mul3A_542 = arith.constant 16 : i32
        %mul3A_543 = arith.muli %add3A_541, %mul3A_542 : i32
        %get3A_544 = arith.index_cast %mul3A_543 : i32 to index
        %get3A_545 = tpu.vector_load %arg9[%get3A_544] {strides = array<i32>} : memref<4096xf32, #tpu.memory_space<vmem>>, vector<16xf32>,
        %sub3A_546 = arith.subf %get3A_545, %gather3A_537 : vector<16xf32>
        %mul3A_547 = arith.mulf %sub3A_546, %sub3A_546 : vector<16xf32>
        %add3A_548 = arith.addf %scan3A_507, %mul3A_547 : vector<16xf32>
        %mul3A_549 = arith.constant 4 : i32
        %mul3A_550 = arith.muli %scan3A_505, %mul3A_549 : i32
        %add3A_551 = arith.constant 2 : i32
        %add3A_552 = arith.addi %mul3A_550, %add3A_551 : i32
        %mul3A_553 = arith.constant 16 : i32
        %mul3A_554 = arith.muli %add3A_552, %mul3A_553 : i32
        %add3A_555 = arith.addi %mul3A_469, %mul3A_554 : i32
        %get3A_556 = arith.index_cast %add3A_555 : i32 to index
        %get3A_557 = tpu.vector_load %arg8[%get3A_556] {strides = array<i32>} : memref<16384xi32, #tpu.memory_space<vmem>>, vector<16xi32>,
        %gather3A_558 = tpu.vector_load_idx %arg7[%get3A_557] : memref<100096xf32, #tpu.memory_space<vmem>>[vector<16xi32>], vector<16xf32>,
        %mul3A_559 = arith.constant 4 : i32
        %mul3A_560 = arith.muli %scan3A_505, %mul3A_559 : i32
        %add3A_561 = arith.constant 2 : i32
        %add3A_562 = arith.addi %mul3A_560, %add3A_561 : i32
        %mul3A_563 = arith.constant 16 : i32
        %mul3A_564 = arith.muli %add3A_562, %mul3A_563 : i32
        %get3A_565 = arith.index_cast %mul3A_564 : i32 to index
        %get3A_566 = tpu.vector_load %arg9[%get3A_565] {strides = array<i32>} : memref<4096xf32, #tpu.memory_space<vmem>>, vector<16xf32>,
        %sub3A_567 = arith.subf %get3A_566, %gather3A_558 : vector<16xf32>
        %mul3A_568 = arith.mulf %sub3A_567, %sub3A_567 : vector<16xf32>
        %add3A_569 = arith.addf %scan3A_508, %mul3A_568 : vector<16xf32>
        %mul3A_570 = arith.constant 4 : i32
        %mul3A_571 = arith.muli %scan3A_505, %mul3A_570 : i32
        %add3A_572 = arith.constant 3 : i32
        %add3A_573 = arith.addi %mul3A_571, %add3A_572 : i32
        %mul3A_574 = arith.constant 16 : i32
        %mul3A_575 = arith.muli %add3A_573, %mul3A_574 : i32
        %add3A_576 = arith.addi %mul3A_469, %mul3A_575 : i32
        %get3A_577 = arith.index_cast %add3A_576 : i32 to index
        %get3A_578 = tpu.vector_load %arg8[%get3A_577] {strides = array<i32>} : memref<16384xi32, #tpu.memory_space<vmem>>, vector<16xi32>,
        %gather3A_579 = tpu.vector_load_idx %arg7[%get3A_578] : memref<100096xf32, #tpu.memory_space<vmem>>[vector<16xi32>], vector<16xf32>,
        %mul3A_580 = arith.constant 4 : i32
        %mul3A_581 = arith.muli %scan3A_505, %mul3A_580 : i32
        %add3A_582 = arith.constant 3 : i32
        %add3A_583 = arith.addi %mul3A_581, %add3A_582 : i32
        %mul3A_584 = arith.constant 16 : i32
        %mul3A_585 = arith.muli %add3A_583, %mul3A_584 : i32
        %get3A_586 = arith.index_cast %mul3A_585 : i32 to index
        %get3A_587 = tpu.vector_load %arg9[%get3A_586] {strides = array<i32>} : memref<4096xf32, #tpu.memory_space<vmem>>, vector<16xf32>,
        %sub3A_588 = arith.subf %get3A_587, %gather3A_579 : vector<16xf32>
        %mul3A_589 = arith.mulf %sub3A_588, %sub3A_588 : vector<16xf32>
        %add3A_590 = arith.addf %scan3A_509, %mul3A_589 : vector<16xf32>
        scf.yield %add3A_527, %add3A_548, %add3A_569, %add3A_590 : vector<16xf32>, vector<16xf32>, vector<16xf32>, vector<16xf32>
      }
      %scan3A_475 = arith.constant 64 : i32
      %add3A_476 = arith.constant 1 : i32
      %add3A_477 = arith.addi %scan3A_453, %add3A_476 : i32
      %lt3A = arith.constant 2 : i32
      %lt3A_478 = arith.cmpi slt, %add3A_477, %lt3A : i32
      %convert_element_type3A = arith.extui %lt3A_478 : i1 to i32
      %cond3A = arith.constant 0 : i32
      %cond3A_479 = arith.cmpi ne, %convert_element_type3A, %cond3A : i32
      scf.if %cond3A_479 {
        %mul3A_505 = arith.constant 2 : i32
        %mul3A_506 = arith.muli %mul3A_505, %scan3A_453 : i32
        %add3A_507 = arith.constant 2 : i32
        %add3A_508 = arith.addi %mul3A_506, %add3A_507 : i32
        %add3A_509 = arith.constant 0 : i32
        %add3A_510 = arith.addi %add3A_508, %add3A_509 : i32
        %mul3A_511 = arith.constant 4096 : i32
        %mul3A_512 = arith.muli %add3A_510, %mul3A_511 : i32
        %dma_start3A_513 = tpu.memref_slice %arg2[%shift_right_logical3A_16, %and3A_18, %mul3A_512] : memref<8x8x16384xf32, #tpu.memory_space<hbm>> -> memref<1x1x4096xf32, #tpu.memory_space<hbm>>
        %dma_start3A_514 = tpu.memref_squeeze %dma_start3A_513 : memref<1x1x4096xf32, #tpu.memory_space<hbm>> -> memref<4096xf32, #tpu.memory_space<hbm>>
        %dma_start3A_515 = tpu.memref_slice %arg2[%shift_right_logical3A_16, %and3A_18, %mul3A_512] : memref<8x8x16384xf32, #tpu.memory_space<hbm>> -> memref<1x1x4096xf32, #tpu.memory_space<hbm>>
        %dma_start3A_516 = tpu.memref_squeeze %dma_start3A_515 : memref<1x1x4096xf32, #tpu.memory_space<hbm>> -> memref<4096xf32, #tpu.memory_space<hbm>>
        tpu.enqueue_dma source(%dma_start3A_516 : memref<4096xf32, #tpu.memory_space<hbm>>) target(%arg9 : memref<4096xf32, #tpu.memory_space<vmem>>) target_semaphore(%arg13 : memref<!tpu.dma_semaphore, #tpu.memory_space<semaphore_mem>>)
      } else {
      }
      %dma_wait3A_480 = arith.constant 0 : i32
      %dma_wait3A_481 = tpu.memref_slice %arg2[%shift_right_logical3A_16, %and3A_18, %dma_wait3A_480] : memref<8x8x16384xf32, #tpu.memory_space<hbm>> -> memref<1x1x4096xf32, #tpu.memory_space<hbm>>
      %dma_wait3A_482 = tpu.memref_squeeze %dma_wait3A_481 : memref<1x1x4096xf32, #tpu.memory_space<hbm>> -> memref<4096xf32, #tpu.memory_space<hbm>>
      %dma_wait3A_483 = arith.constant 0 : i32
      %dma_wait3A_484 = tpu.memref_slice %arg2[%shift_right_logical3A_16, %and3A_18, %dma_wait3A_483] : memref<8x8x16384xf32, #tpu.memory_space<hbm>> -> memref<1x1x4096xf32, #tpu.memory_space<hbm>>
      %dma_wait3A_485 = tpu.memref_squeeze %dma_wait3A_484 : memref<1x1x4096xf32, #tpu.memory_space<hbm>> -> memref<4096xf32, #tpu.memory_space<hbm>>
      tpu.wait_dma2 semaphore(%arg13 : memref<!tpu.dma_semaphore, #tpu.memory_space<semaphore_mem>>) src(%dma_wait3A_485 : memref<4096xf32, #tpu.memory_space<hbm>>) dst(%arg10 : memref<4096xf32, #tpu.memory_space<vmem>>)
      %mul3A_486 = arith.constant 2 : i32
      %mul3A_487 = arith.muli %mul3A_486, %scan3A_453 : i32
      %add3A_488 = arith.constant 1 : i32
      %add3A_489 = arith.addi %mul3A_487, %add3A_488 : i32
      %mul3A_490 = arith.constant 4096 : i32
      %mul3A_491 = arith.muli %add3A_489, %mul3A_490 : i32
      %scan3A_492 = arith.constant 0 : i32
      %scan3A_493 = arith.constant 64 : i32
      %scan3A_494 = arith.addi %scan3A_492, %scan3A_493 : i32
      %scan3A_495 = arith.constant 1 : i32
      %scan3A_496:4 = scf.for %scan3A_505 = %scan3A_492 to %scan3A_494 step %scan3A_495 iter_args(%scan3A_506 = %scan3A_474#0, %scan3A_507 = %scan3A_474#1, %scan3A_508 = %scan3A_474#2, %scan3A_509 = %scan3A_474#3) -> (vector<16xf32>, vector<16xf32>, vector<16xf32>, vector<16xf32>)  : i32 {
        %mul3A_510 = arith.constant 4 : i32
        %mul3A_511 = arith.muli %scan3A_505, %mul3A_510 : i32
        %add3A_512 = arith.constant 0 : i32
        %add3A_513 = arith.addi %mul3A_511, %add3A_512 : i32
        %mul3A_514 = arith.constant 16 : i32
        %mul3A_515 = arith.muli %add3A_513, %mul3A_514 : i32
        %add3A_516 = arith.addi %mul3A_491, %mul3A_515 : i32
        %get3A = arith.index_cast %add3A_516 : i32 to index
        %get3A_517 = tpu.vector_load %arg8[%get3A] {strides = array<i32>} : memref<16384xi32, #tpu.memory_space<vmem>>, vector<16xi32>,
        %gather3A = tpu.vector_load_idx %arg7[%get3A_517] : memref<100096xf32, #tpu.memory_space<vmem>>[vector<16xi32>], vector<16xf32>,
        %mul3A_518 = arith.constant 4 : i32
        %mul3A_519 = arith.muli %scan3A_505, %mul3A_518 : i32
        %add3A_520 = arith.constant 0 : i32
        %add3A_521 = arith.addi %mul3A_519, %add3A_520 : i32
        %mul3A_522 = arith.constant 16 : i32
        %mul3A_523 = arith.muli %add3A_521, %mul3A_522 : i32
        %get3A_524 = arith.index_cast %mul3A_523 : i32 to index
        %get3A_525 = tpu.vector_load %arg10[%get3A_524] {strides = array<i32>} : memref<4096xf32, #tpu.memory_space<vmem>>, vector<16xf32>,
        %sub3A = arith.subf %get3A_525, %gather3A : vector<16xf32>
        %mul3A_526 = arith.mulf %sub3A, %sub3A : vector<16xf32>
        %add3A_527 = arith.addf %scan3A_506, %mul3A_526 : vector<16xf32>
        %mul3A_528 = arith.constant 4 : i32
        %mul3A_529 = arith.muli %scan3A_505, %mul3A_528 : i32
        %add3A_530 = arith.constant 1 : i32
        %add3A_531 = arith.addi %mul3A_529, %add3A_530 : i32
        %mul3A_532 = arith.constant 16 : i32
        %mul3A_533 = arith.muli %add3A_531, %mul3A_532 : i32
        %add3A_534 = arith.addi %mul3A_491, %mul3A_533 : i32
        %get3A_535 = arith.index_cast %add3A_534 : i32 to index
        %get3A_536 = tpu.vector_load %arg8[%get3A_535] {strides = array<i32>} : memref<16384xi32, #tpu.memory_space<vmem>>, vector<16xi32>,
        %gather3A_537 = tpu.vector_load_idx %arg7[%get3A_536] : memref<100096xf32, #tpu.memory_space<vmem>>[vector<16xi32>], vector<16xf32>,
        %mul3A_538 = arith.constant 4 : i32
        %mul3A_539 = arith.muli %scan3A_505, %mul3A_538 : i32
        %add3A_540 = arith.constant 1 : i32
        %add3A_541 = arith.addi %mul3A_539, %add3A_540 : i32
        %mul3A_542 = arith.constant 16 : i32
        %mul3A_543 = arith.muli %add3A_541, %mul3A_542 : i32
        %get3A_544 = arith.index_cast %mul3A_543 : i32 to index
        %get3A_545 = tpu.vector_load %arg10[%get3A_544] {strides = array<i32>} : memref<4096xf32, #tpu.memory_space<vmem>>, vector<16xf32>,
        %sub3A_546 = arith.subf %get3A_545, %gather3A_537 : vector<16xf32>
        %mul3A_547 = arith.mulf %sub3A_546, %sub3A_546 : vector<16xf32>
        %add3A_548 = arith.addf %scan3A_507, %mul3A_547 : vector<16xf32>
        %mul3A_549 = arith.constant 4 : i32
        %mul3A_550 = arith.muli %scan3A_505, %mul3A_549 : i32
        %add3A_551 = arith.constant 2 : i32
        %add3A_552 = arith.addi %mul3A_550, %add3A_551 : i32
        %mul3A_553 = arith.constant 16 : i32
        %mul3A_554 = arith.muli %add3A_552, %mul3A_553 : i32
        %add3A_555 = arith.addi %mul3A_491, %mul3A_554 : i32
        %get3A_556 = arith.index_cast %add3A_555 : i32 to index
        %get3A_557 = tpu.vector_load %arg8[%get3A_556] {strides = array<i32>} : memref<16384xi32, #tpu.memory_space<vmem>>, vector<16xi32>,
        %gather3A_558 = tpu.vector_load_idx %arg7[%get3A_557] : memref<100096xf32, #tpu.memory_space<vmem>>[vector<16xi32>], vector<16xf32>,
        %mul3A_559 = arith.constant 4 : i32
        %mul3A_560 = arith.muli %scan3A_505, %mul3A_559 : i32
        %add3A_561 = arith.constant 2 : i32
        %add3A_562 = arith.addi %mul3A_560, %add3A_561 : i32
        %mul3A_563 = arith.constant 16 : i32
        %mul3A_564 = arith.muli %add3A_562, %mul3A_563 : i32
        %get3A_565 = arith.index_cast %mul3A_564 : i32 to index
        %get3A_566 = tpu.vector_load %arg10[%get3A_565] {strides = array<i32>} : memref<4096xf32, #tpu.memory_space<vmem>>, vector<16xf32>,
        %sub3A_567 = arith.subf %get3A_566, %gather3A_558 : vector<16xf32>
        %mul3A_568 = arith.mulf %sub3A_567, %sub3A_567 : vector<16xf32>
        %add3A_569 = arith.addf %scan3A_508, %mul3A_568 : vector<16xf32>
        %mul3A_570 = arith.constant 4 : i32
        %mul3A_571 = arith.muli %scan3A_505, %mul3A_570 : i32
        %add3A_572 = arith.constant 3 : i32
        %add3A_573 = arith.addi %mul3A_571, %add3A_572 : i32
        %mul3A_574 = arith.constant 16 : i32
        %mul3A_575 = arith.muli %add3A_573, %mul3A_574 : i32
        %add3A_576 = arith.addi %mul3A_491, %mul3A_575 : i32
        %get3A_577 = arith.index_cast %add3A_576 : i32 to index
        %get3A_578 = tpu.vector_load %arg8[%get3A_577] {strides = array<i32>} : memref<16384xi32, #tpu.memory_space<vmem>>, vector<16xi32>,
        %gather3A_579 = tpu.vector_load_idx %arg7[%get3A_578] : memref<100096xf32, #tpu.memory_space<vmem>>[vector<16xi32>], vector<16xf32>,
        %mul3A_580 = arith.constant 4 : i32
        %mul3A_581 = arith.muli %scan3A_505, %mul3A_580 : i32
        %add3A_582 = arith.constant 3 : i32
        %add3A_583 = arith.addi %mul3A_581, %add3A_582 : i32
        %mul3A_584 = arith.constant 16 : i32
        %mul3A_585 = arith.muli %add3A_583, %mul3A_584 : i32
        %get3A_586 = arith.index_cast %mul3A_585 : i32 to index
        %get3A_587 = tpu.vector_load %arg10[%get3A_586] {strides = array<i32>} : memref<4096xf32, #tpu.memory_space<vmem>>, vector<16xf32>,
        %sub3A_588 = arith.subf %get3A_587, %gather3A_579 : vector<16xf32>
        %mul3A_589 = arith.mulf %sub3A_588, %sub3A_588 : vector<16xf32>
        %add3A_590 = arith.addf %scan3A_509, %mul3A_589 : vector<16xf32>
        scf.yield %add3A_527, %add3A_548, %add3A_569, %add3A_590 : vector<16xf32>, vector<16xf32>, vector<16xf32>, vector<16xf32>
      }
      %scan3A_497 = arith.constant 64 : i32
      %add3A_498 = arith.constant 1 : i32
      %add3A_499 = arith.addi %scan3A_453, %add3A_498 : i32
      %lt3A_500 = arith.constant 2 : i32
      %lt3A_501 = arith.cmpi slt, %add3A_499, %lt3A_500 : i32
      %convert_element_type3A_502 = arith.extui %lt3A_501 : i1 to i32
      %cond3A_503 = arith.constant 0 : i32
      %cond3A_504 = arith.cmpi ne, %convert_element_type3A_502, %cond3A_503 : i32
      scf.if %cond3A_504 {
        %mul3A_505 = arith.constant 2 : i32
        %mul3A_506 = arith.muli %mul3A_505, %scan3A_453 : i32
        %add3A_507 = arith.constant 2 : i32
        %add3A_508 = arith.addi %mul3A_506, %add3A_507 : i32
        %add3A_509 = arith.constant 1 : i32
        %add3A_510 = arith.addi %add3A_508, %add3A_509 : i32
        %mul3A_511 = arith.constant 4096 : i32
        %mul3A_512 = arith.muli %add3A_510, %mul3A_511 : i32
        %dma_start3A_513 = tpu.memref_slice %arg2[%shift_right_logical3A_16, %and3A_18, %mul3A_512] : memref<8x8x16384xf32, #tpu.memory_space<hbm>> -> memref<1x1x4096xf32, #tpu.memory_space<hbm>>
        %dma_start3A_514 = tpu.memref_squeeze %dma_start3A_513 : memref<1x1x4096xf32, #tpu.memory_space<hbm>> -> memref<4096xf32, #tpu.memory_space<hbm>>
        %dma_start3A_515 = tpu.memref_slice %arg2[%shift_right_logical3A_16, %and3A_18, %mul3A_512] : memref<8x8x16384xf32, #tpu.memory_space<hbm>> -> memref<1x1x4096xf32, #tpu.memory_space<hbm>>
        %dma_start3A_516 = tpu.memref_squeeze %dma_start3A_515 : memref<1x1x4096xf32, #tpu.memory_space<hbm>> -> memref<4096xf32, #tpu.memory_space<hbm>>
        tpu.enqueue_dma source(%dma_start3A_516 : memref<4096xf32, #tpu.memory_space<hbm>>) target(%arg10 : memref<4096xf32, #tpu.memory_space<vmem>>) target_semaphore(%arg13 : memref<!tpu.dma_semaphore, #tpu.memory_space<semaphore_mem>>)
      } else {
      }
      scf.yield %scan3A_496#0, %scan3A_496#1, %scan3A_496#2, %scan3A_496#3 : vector<16xf32>, vector<16xf32>, vector<16xf32>, vector<16xf32>
    }
    %scan3A_59 = arith.constant 2 : i32
    %add3A_60 = arith.addf %scan3A_58#0, %scan3A_58#1 : vector<16xf32>
    %add3A_61 = arith.addf %scan3A_58#2, %scan3A_58#3 : vector<16xf32>
    %add3A_62 = arith.addf %add3A_60, %add3A_61 : vector<16xf32>
    %broadcast_in_dim3A_63 = arith.constant 0.000000e+00 : f32
    %broadcast_in_dim3A_64 = vector.broadcast %broadcast_in_dim3A_63 : f32 to vector<16xf32>
    %swap3A = arith.constant 0 : i32
    %swap3A_65 = arith.index_cast %swap3A : i32 to index
    %swap3A_66 = arith.constant 0 : index
    %swap3A_67 = tpu.vector_load %arg11[%swap3A_65, %swap3A_66] {strides = array<i32>} : memref<8x128xf32, #tpu.memory_space<vmem>>, vector<16xf32>,
    tpu.vector_store %arg11[%swap3A_65, %swap3A_66], %broadcast_in_dim3A_64 {strides = array<i32>} : memref<8x128xf32, #tpu.memory_space<vmem>>, vector<16xf32>,
    %broadcast_in_dim3A_68 = arith.constant 0.000000e+00 : f32
    %broadcast_in_dim3A_69 = vector.broadcast %broadcast_in_dim3A_68 : f32 to vector<16xf32>
    %swap3A_70 = arith.constant 0 : i32
    %swap3A_71 = arith.index_cast %swap3A_70 : i32 to index
    %swap3A_72 = arith.constant 16 : index
    %swap3A_73 = tpu.vector_load %arg11[%swap3A_71, %swap3A_72] {strides = array<i32>} : memref<8x128xf32, #tpu.memory_space<vmem>>, vector<16xf32>,
    tpu.vector_store %arg11[%swap3A_71, %swap3A_72], %broadcast_in_dim3A_69 {strides = array<i32>} : memref<8x128xf32, #tpu.memory_space<vmem>>, vector<16xf32>,
    %broadcast_in_dim3A_74 = arith.constant 0.000000e+00 : f32
    %broadcast_in_dim3A_75 = vector.broadcast %broadcast_in_dim3A_74 : f32 to vector<16xf32>
    %swap3A_76 = arith.constant 0 : i32
    %swap3A_77 = arith.index_cast %swap3A_76 : i32 to index
    %swap3A_78 = arith.constant 32 : index
    %swap3A_79 = tpu.vector_load %arg11[%swap3A_77, %swap3A_78] {strides = array<i32>} : memref<8x128xf32, #tpu.memory_space<vmem>>, vector<16xf32>,
    tpu.vector_store %arg11[%swap3A_77, %swap3A_78], %broadcast_in_dim3A_75 {strides = array<i32>} : memref<8x128xf32, #tpu.memory_space<vmem>>, vector<16xf32>,
    %broadcast_in_dim3A_80 = arith.constant 0.000000e+00 : f32
    %broadcast_in_dim3A_81 = vector.broadcast %broadcast_in_dim3A_80 : f32 to vector<16xf32>
    %swap3A_82 = arith.constant 0 : i32
    %swap3A_83 = arith.index_cast %swap3A_82 : i32 to index
    %swap3A_84 = arith.constant 48 : index
    %swap3A_85 = tpu.vector_load %arg11[%swap3A_83, %swap3A_84] {strides = array<i32>} : memref<8x128xf32, #tpu.memory_space<vmem>>, vector<16xf32>,
    tpu.vector_store %arg11[%swap3A_83, %swap3A_84], %broadcast_in_dim3A_81 {strides = array<i32>} : memref<8x128xf32, #tpu.memory_space<vmem>>, vector<16xf32>,
    %broadcast_in_dim3A_86 = arith.constant 0.000000e+00 : f32
    %broadcast_in_dim3A_87 = vector.broadcast %broadcast_in_dim3A_86 : f32 to vector<16xf32>
    %swap3A_88 = arith.constant 0 : i32
    %swap3A_89 = arith.index_cast %swap3A_88 : i32 to index
    %swap3A_90 = arith.constant 64 : index
    %swap3A_91 = tpu.vector_load %arg11[%swap3A_89, %swap3A_90] {strides = array<i32>} : memref<8x128xf32, #tpu.memory_space<vmem>>, vector<16xf32>,
    tpu.vector_store %arg11[%swap3A_89, %swap3A_90], %broadcast_in_dim3A_87 {strides = array<i32>} : memref<8x128xf32, #tpu.memory_space<vmem>>, vector<16xf32>,
    %broadcast_in_dim3A_92 = arith.constant 0.000000e+00 : f32
    %broadcast_in_dim3A_93 = vector.broadcast %broadcast_in_dim3A_92 : f32 to vector<16xf32>
    %swap3A_94 = arith.constant 0 : i32
    %swap3A_95 = arith.index_cast %swap3A_94 : i32 to index
    %swap3A_96 = arith.constant 80 : index
    %swap3A_97 = tpu.vector_load %arg11[%swap3A_95, %swap3A_96] {strides = array<i32>} : memref<8x128xf32, #tpu.memory_space<vmem>>, vector<16xf32>,
    tpu.vector_store %arg11[%swap3A_95, %swap3A_96], %broadcast_in_dim3A_93 {strides = array<i32>} : memref<8x128xf32, #tpu.memory_space<vmem>>, vector<16xf32>,
    %broadcast_in_dim3A_98 = arith.constant 0.000000e+00 : f32
    %broadcast_in_dim3A_99 = vector.broadcast %broadcast_in_dim3A_98 : f32 to vector<16xf32>
    %swap3A_100 = arith.constant 0 : i32
    %swap3A_101 = arith.index_cast %swap3A_100 : i32 to index
    %swap3A_102 = arith.constant 96 : index
    %swap3A_103 = tpu.vector_load %arg11[%swap3A_101, %swap3A_102] {strides = array<i32>} : memref<8x128xf32, #tpu.memory_space<vmem>>, vector<16xf32>,
    tpu.vector_store %arg11[%swap3A_101, %swap3A_102], %broadcast_in_dim3A_99 {strides = array<i32>} : memref<8x128xf32, #tpu.memory_space<vmem>>, vector<16xf32>,
    %broadcast_in_dim3A_104 = arith.constant 0.000000e+00 : f32
    %broadcast_in_dim3A_105 = vector.broadcast %broadcast_in_dim3A_104 : f32 to vector<16xf32>
    %swap3A_106 = arith.constant 0 : i32
    %swap3A_107 = arith.index_cast %swap3A_106 : i32 to index
    %swap3A_108 = arith.constant 112 : index
    %swap3A_109 = tpu.vector_load %arg11[%swap3A_107, %swap3A_108] {strides = array<i32>} : memref<8x128xf32, #tpu.memory_space<vmem>>, vector<16xf32>,
    tpu.vector_store %arg11[%swap3A_107, %swap3A_108], %broadcast_in_dim3A_105 {strides = array<i32>} : memref<8x128xf32, #tpu.memory_space<vmem>>, vector<16xf32>,
    %broadcast_in_dim3A_110 = arith.constant 0.000000e+00 : f32
    %broadcast_in_dim3A_111 = vector.broadcast %broadcast_in_dim3A_110 : f32 to vector<16xf32>
    %swap3A_112 = arith.constant 1 : i32
    %swap3A_113 = arith.index_cast %swap3A_112 : i32 to index
    %swap3A_114 = arith.constant 0 : index
    %swap3A_115 = tpu.vector_load %arg11[%swap3A_113, %swap3A_114] {strides = array<i32>} : memref<8x128xf32, #tpu.memory_space<vmem>>, vector<16xf32>,
    tpu.vector_store %arg11[%swap3A_113, %swap3A_114], %broadcast_in_dim3A_111 {strides = array<i32>} : memref<8x128xf32, #tpu.memory_space<vmem>>, vector<16xf32>,
    %broadcast_in_dim3A_116 = arith.constant 0.000000e+00 : f32
    %broadcast_in_dim3A_117 = vector.broadcast %broadcast_in_dim3A_116 : f32 to vector<16xf32>
    %swap3A_118 = arith.constant 1 : i32
    %swap3A_119 = arith.index_cast %swap3A_118 : i32 to index
    %swap3A_120 = arith.constant 16 : index
    %swap3A_121 = tpu.vector_load %arg11[%swap3A_119, %swap3A_120] {strides = array<i32>} : memref<8x128xf32, #tpu.memory_space<vmem>>, vector<16xf32>,
    tpu.vector_store %arg11[%swap3A_119, %swap3A_120], %broadcast_in_dim3A_117 {strides = array<i32>} : memref<8x128xf32, #tpu.memory_space<vmem>>, vector<16xf32>,
    %broadcast_in_dim3A_122 = arith.constant 0.000000e+00 : f32
    %broadcast_in_dim3A_123 = vector.broadcast %broadcast_in_dim3A_122 : f32 to vector<16xf32>
    %swap3A_124 = arith.constant 1 : i32
    %swap3A_125 = arith.index_cast %swap3A_124 : i32 to index
    %swap3A_126 = arith.constant 32 : index
    %swap3A_127 = tpu.vector_load %arg11[%swap3A_125, %swap3A_126] {strides = array<i32>} : memref<8x128xf32, #tpu.memory_space<vmem>>, vector<16xf32>,
    tpu.vector_store %arg11[%swap3A_125, %swap3A_126], %broadcast_in_dim3A_123 {strides = array<i32>} : memref<8x128xf32, #tpu.memory_space<vmem>>, vector<16xf32>,
    %broadcast_in_dim3A_128 = arith.constant 0.000000e+00 : f32
    %broadcast_in_dim3A_129 = vector.broadcast %broadcast_in_dim3A_128 : f32 to vector<16xf32>
    %swap3A_130 = arith.constant 1 : i32
    %swap3A_131 = arith.index_cast %swap3A_130 : i32 to index
    %swap3A_132 = arith.constant 48 : index
    %swap3A_133 = tpu.vector_load %arg11[%swap3A_131, %swap3A_132] {strides = array<i32>} : memref<8x128xf32, #tpu.memory_space<vmem>>, vector<16xf32>,
    tpu.vector_store %arg11[%swap3A_131, %swap3A_132], %broadcast_in_dim3A_129 {strides = array<i32>} : memref<8x128xf32, #tpu.memory_space<vmem>>, vector<16xf32>,
    %broadcast_in_dim3A_134 = arith.constant 0.000000e+00 : f32
    %broadcast_in_dim3A_135 = vector.broadcast %broadcast_in_dim3A_134 : f32 to vector<16xf32>
    %swap3A_136 = arith.constant 1 : i32
    %swap3A_137 = arith.index_cast %swap3A_136 : i32 to index
    %swap3A_138 = arith.constant 64 : index
    %swap3A_139 = tpu.vector_load %arg11[%swap3A_137, %swap3A_138] {strides = array<i32>} : memref<8x128xf32, #tpu.memory_space<vmem>>, vector<16xf32>,
    tpu.vector_store %arg11[%swap3A_137, %swap3A_138], %broadcast_in_dim3A_135 {strides = array<i32>} : memref<8x128xf32, #tpu.memory_space<vmem>>, vector<16xf32>,
    %broadcast_in_dim3A_140 = arith.constant 0.000000e+00 : f32
    %broadcast_in_dim3A_141 = vector.broadcast %broadcast_in_dim3A_140 : f32 to vector<16xf32>
    %swap3A_142 = arith.constant 1 : i32
    %swap3A_143 = arith.index_cast %swap3A_142 : i32 to index
    %swap3A_144 = arith.constant 80 : index
    %swap3A_145 = tpu.vector_load %arg11[%swap3A_143, %swap3A_144] {strides = array<i32>} : memref<8x128xf32, #tpu.memory_space<vmem>>, vector<16xf32>,
    tpu.vector_store %arg11[%swap3A_143, %swap3A_144], %broadcast_in_dim3A_141 {strides = array<i32>} : memref<8x128xf32, #tpu.memory_space<vmem>>, vector<16xf32>,
    %broadcast_in_dim3A_146 = arith.constant 0.000000e+00 : f32
    %broadcast_in_dim3A_147 = vector.broadcast %broadcast_in_dim3A_146 : f32 to vector<16xf32>
    %swap3A_148 = arith.constant 1 : i32
    %swap3A_149 = arith.index_cast %swap3A_148 : i32 to index
    %swap3A_150 = arith.constant 96 : index
    %swap3A_151 = tpu.vector_load %arg11[%swap3A_149, %swap3A_150] {strides = array<i32>} : memref<8x128xf32, #tpu.memory_space<vmem>>, vector<16xf32>,
    tpu.vector_store %arg11[%swap3A_149, %swap3A_150], %broadcast_in_dim3A_147 {strides = array<i32>} : memref<8x128xf32, #tpu.memory_space<vmem>>, vector<16xf32>,
    %broadcast_in_dim3A_152 = arith.constant 0.000000e+00 : f32
    %broadcast_in_dim3A_153 = vector.broadcast %broadcast_in_dim3A_152 : f32 to vector<16xf32>
    %swap3A_154 = arith.constant 1 : i32
    %swap3A_155 = arith.index_cast %swap3A_154 : i32 to index
    %swap3A_156 = arith.constant 112 : index
    %swap3A_157 = tpu.vector_load %arg11[%swap3A_155, %swap3A_156] {strides = array<i32>} : memref<8x128xf32, #tpu.memory_space<vmem>>, vector<16xf32>,
    tpu.vector_store %arg11[%swap3A_155, %swap3A_156], %broadcast_in_dim3A_153 {strides = array<i32>} : memref<8x128xf32, #tpu.memory_space<vmem>>, vector<16xf32>,
    %broadcast_in_dim3A_158 = arith.constant 0.000000e+00 : f32
    %broadcast_in_dim3A_159 = vector.broadcast %broadcast_in_dim3A_158 : f32 to vector<16xf32>
    %swap3A_160 = arith.constant 2 : i32
    %swap3A_161 = arith.index_cast %swap3A_160 : i32 to index
    %swap3A_162 = arith.constant 0 : index
    %swap3A_163 = tpu.vector_load %arg11[%swap3A_161, %swap3A_162] {strides = array<i32>} : memref<8x128xf32, #tpu.memory_space<vmem>>, vector<16xf32>,
    tpu.vector_store %arg11[%swap3A_161, %swap3A_162], %broadcast_in_dim3A_159 {strides = array<i32>} : memref<8x128xf32, #tpu.memory_space<vmem>>, vector<16xf32>,
    %broadcast_in_dim3A_164 = arith.constant 0.000000e+00 : f32
    %broadcast_in_dim3A_165 = vector.broadcast %broadcast_in_dim3A_164 : f32 to vector<16xf32>
    %swap3A_166 = arith.constant 2 : i32
    %swap3A_167 = arith.index_cast %swap3A_166 : i32 to index
    %swap3A_168 = arith.constant 16 : index
    %swap3A_169 = tpu.vector_load %arg11[%swap3A_167, %swap3A_168] {strides = array<i32>} : memref<8x128xf32, #tpu.memory_space<vmem>>, vector<16xf32>,
    tpu.vector_store %arg11[%swap3A_167, %swap3A_168], %broadcast_in_dim3A_165 {strides = array<i32>} : memref<8x128xf32, #tpu.memory_space<vmem>>, vector<16xf32>,
    %broadcast_in_dim3A_170 = arith.constant 0.000000e+00 : f32
    %broadcast_in_dim3A_171 = vector.broadcast %broadcast_in_dim3A_170 : f32 to vector<16xf32>
    %swap3A_172 = arith.constant 2 : i32
    %swap3A_173 = arith.index_cast %swap3A_172 : i32 to index
    %swap3A_174 = arith.constant 32 : index
    %swap3A_175 = tpu.vector_load %arg11[%swap3A_173, %swap3A_174] {strides = array<i32>} : memref<8x128xf32, #tpu.memory_space<vmem>>, vector<16xf32>,
    tpu.vector_store %arg11[%swap3A_173, %swap3A_174], %broadcast_in_dim3A_171 {strides = array<i32>} : memref<8x128xf32, #tpu.memory_space<vmem>>, vector<16xf32>,
    %broadcast_in_dim3A_176 = arith.constant 0.000000e+00 : f32
    %broadcast_in_dim3A_177 = vector.broadcast %broadcast_in_dim3A_176 : f32 to vector<16xf32>
    %swap3A_178 = arith.constant 2 : i32
    %swap3A_179 = arith.index_cast %swap3A_178 : i32 to index
    %swap3A_180 = arith.constant 48 : index
    %swap3A_181 = tpu.vector_load %arg11[%swap3A_179, %swap3A_180] {strides = array<i32>} : memref<8x128xf32, #tpu.memory_space<vmem>>, vector<16xf32>,
    tpu.vector_store %arg11[%swap3A_179, %swap3A_180], %broadcast_in_dim3A_177 {strides = array<i32>} : memref<8x128xf32, #tpu.memory_space<vmem>>, vector<16xf32>,
    %broadcast_in_dim3A_182 = arith.constant 0.000000e+00 : f32
    %broadcast_in_dim3A_183 = vector.broadcast %broadcast_in_dim3A_182 : f32 to vector<16xf32>
    %swap3A_184 = arith.constant 2 : i32
    %swap3A_185 = arith.index_cast %swap3A_184 : i32 to index
    %swap3A_186 = arith.constant 64 : index
    %swap3A_187 = tpu.vector_load %arg11[%swap3A_185, %swap3A_186] {strides = array<i32>} : memref<8x128xf32, #tpu.memory_space<vmem>>, vector<16xf32>,
    tpu.vector_store %arg11[%swap3A_185, %swap3A_186], %broadcast_in_dim3A_183 {strides = array<i32>} : memref<8x128xf32, #tpu.memory_space<vmem>>, vector<16xf32>,
    %broadcast_in_dim3A_188 = arith.constant 0.000000e+00 : f32
    %broadcast_in_dim3A_189 = vector.broadcast %broadcast_in_dim3A_188 : f32 to vector<16xf32>
    %swap3A_190 = arith.constant 2 : i32
    %swap3A_191 = arith.index_cast %swap3A_190 : i32 to index
    %swap3A_192 = arith.constant 80 : index
    %swap3A_193 = tpu.vector_load %arg11[%swap3A_191, %swap3A_192] {strides = array<i32>} : memref<8x128xf32, #tpu.memory_space<vmem>>, vector<16xf32>,
    tpu.vector_store %arg11[%swap3A_191, %swap3A_192], %broadcast_in_dim3A_189 {strides = array<i32>} : memref<8x128xf32, #tpu.memory_space<vmem>>, vector<16xf32>,
    %broadcast_in_dim3A_194 = arith.constant 0.000000e+00 : f32
    %broadcast_in_dim3A_195 = vector.broadcast %broadcast_in_dim3A_194 : f32 to vector<16xf32>
    %swap3A_196 = arith.constant 2 : i32
    %swap3A_197 = arith.index_cast %swap3A_196 : i32 to index
    %swap3A_198 = arith.constant 96 : index
    %swap3A_199 = tpu.vector_load %arg11[%swap3A_197, %swap3A_198] {strides = array<i32>} : memref<8x128xf32, #tpu.memory_space<vmem>>, vector<16xf32>,
    tpu.vector_store %arg11[%swap3A_197, %swap3A_198], %broadcast_in_dim3A_195 {strides = array<i32>} : memref<8x128xf32, #tpu.memory_space<vmem>>, vector<16xf32>,
    %broadcast_in_dim3A_200 = arith.constant 0.000000e+00 : f32
    %broadcast_in_dim3A_201 = vector.broadcast %broadcast_in_dim3A_200 : f32 to vector<16xf32>
    %swap3A_202 = arith.constant 2 : i32
    %swap3A_203 = arith.index_cast %swap3A_202 : i32 to index
    %swap3A_204 = arith.constant 112 : index
    %swap3A_205 = tpu.vector_load %arg11[%swap3A_203, %swap3A_204] {strides = array<i32>} : memref<8x128xf32, #tpu.memory_space<vmem>>, vector<16xf32>,
    tpu.vector_store %arg11[%swap3A_203, %swap3A_204], %broadcast_in_dim3A_201 {strides = array<i32>} : memref<8x128xf32, #tpu.memory_space<vmem>>, vector<16xf32>,
    %broadcast_in_dim3A_206 = arith.constant 0.000000e+00 : f32
    %broadcast_in_dim3A_207 = vector.broadcast %broadcast_in_dim3A_206 : f32 to vector<16xf32>
    %swap3A_208 = arith.constant 3 : i32
    %swap3A_209 = arith.index_cast %swap3A_208 : i32 to index
    %swap3A_210 = arith.constant 0 : index
    %swap3A_211 = tpu.vector_load %arg11[%swap3A_209, %swap3A_210] {strides = array<i32>} : memref<8x128xf32, #tpu.memory_space<vmem>>, vector<16xf32>,
    tpu.vector_store %arg11[%swap3A_209, %swap3A_210], %broadcast_in_dim3A_207 {strides = array<i32>} : memref<8x128xf32, #tpu.memory_space<vmem>>, vector<16xf32>,
    %broadcast_in_dim3A_212 = arith.constant 0.000000e+00 : f32
    %broadcast_in_dim3A_213 = vector.broadcast %broadcast_in_dim3A_212 : f32 to vector<16xf32>
    %swap3A_214 = arith.constant 3 : i32
    %swap3A_215 = arith.index_cast %swap3A_214 : i32 to index
    %swap3A_216 = arith.constant 16 : index
    %swap3A_217 = tpu.vector_load %arg11[%swap3A_215, %swap3A_216] {strides = array<i32>} : memref<8x128xf32, #tpu.memory_space<vmem>>, vector<16xf32>,
    tpu.vector_store %arg11[%swap3A_215, %swap3A_216], %broadcast_in_dim3A_213 {strides = array<i32>} : memref<8x128xf32, #tpu.memory_space<vmem>>, vector<16xf32>,
    %broadcast_in_dim3A_218 = arith.constant 0.000000e+00 : f32
    %broadcast_in_dim3A_219 = vector.broadcast %broadcast_in_dim3A_218 : f32 to vector<16xf32>
    %swap3A_220 = arith.constant 3 : i32
    %swap3A_221 = arith.index_cast %swap3A_220 : i32 to index
    %swap3A_222 = arith.constant 32 : index
    %swap3A_223 = tpu.vector_load %arg11[%swap3A_221, %swap3A_222] {strides = array<i32>} : memref<8x128xf32, #tpu.memory_space<vmem>>, vector<16xf32>,
    tpu.vector_store %arg11[%swap3A_221, %swap3A_222], %broadcast_in_dim3A_219 {strides = array<i32>} : memref<8x128xf32, #tpu.memory_space<vmem>>, vector<16xf32>,
    %broadcast_in_dim3A_224 = arith.constant 0.000000e+00 : f32
    %broadcast_in_dim3A_225 = vector.broadcast %broadcast_in_dim3A_224 : f32 to vector<16xf32>
    %swap3A_226 = arith.constant 3 : i32
    %swap3A_227 = arith.index_cast %swap3A_226 : i32 to index
    %swap3A_228 = arith.constant 48 : index
    %swap3A_229 = tpu.vector_load %arg11[%swap3A_227, %swap3A_228] {strides = array<i32>} : memref<8x128xf32, #tpu.memory_space<vmem>>, vector<16xf32>,
    tpu.vector_store %arg11[%swap3A_227, %swap3A_228], %broadcast_in_dim3A_225 {strides = array<i32>} : memref<8x128xf32, #tpu.memory_space<vmem>>, vector<16xf32>,
    %broadcast_in_dim3A_230 = arith.constant 0.000000e+00 : f32
    %broadcast_in_dim3A_231 = vector.broadcast %broadcast_in_dim3A_230 : f32 to vector<16xf32>
    %swap3A_232 = arith.constant 3 : i32
    %swap3A_233 = arith.index_cast %swap3A_232 : i32 to index
    %swap3A_234 = arith.constant 64 : index
    %swap3A_235 = tpu.vector_load %arg11[%swap3A_233, %swap3A_234] {strides = array<i32>} : memref<8x128xf32, #tpu.memory_space<vmem>>, vector<16xf32>,
    tpu.vector_store %arg11[%swap3A_233, %swap3A_234], %broadcast_in_dim3A_231 {strides = array<i32>} : memref<8x128xf32, #tpu.memory_space<vmem>>, vector<16xf32>,
    %broadcast_in_dim3A_236 = arith.constant 0.000000e+00 : f32
    %broadcast_in_dim3A_237 = vector.broadcast %broadcast_in_dim3A_236 : f32 to vector<16xf32>
    %swap3A_238 = arith.constant 3 : i32
    %swap3A_239 = arith.index_cast %swap3A_238 : i32 to index
    %swap3A_240 = arith.constant 80 : index
    %swap3A_241 = tpu.vector_load %arg11[%swap3A_239, %swap3A_240] {strides = array<i32>} : memref<8x128xf32, #tpu.memory_space<vmem>>, vector<16xf32>,
    tpu.vector_store %arg11[%swap3A_239, %swap3A_240], %broadcast_in_dim3A_237 {strides = array<i32>} : memref<8x128xf32, #tpu.memory_space<vmem>>, vector<16xf32>,
    %broadcast_in_dim3A_242 = arith.constant 0.000000e+00 : f32
    %broadcast_in_dim3A_243 = vector.broadcast %broadcast_in_dim3A_242 : f32 to vector<16xf32>
    %swap3A_244 = arith.constant 3 : i32
    %swap3A_245 = arith.index_cast %swap3A_244 : i32 to index
    %swap3A_246 = arith.constant 96 : index
    %swap3A_247 = tpu.vector_load %arg11[%swap3A_245, %swap3A_246] {strides = array<i32>} : memref<8x128xf32, #tpu.memory_space<vmem>>, vector<16xf32>,
    tpu.vector_store %arg11[%swap3A_245, %swap3A_246], %broadcast_in_dim3A_243 {strides = array<i32>} : memref<8x128xf32, #tpu.memory_space<vmem>>, vector<16xf32>,
    %broadcast_in_dim3A_248 = arith.constant 0.000000e+00 : f32
    %broadcast_in_dim3A_249 = vector.broadcast %broadcast_in_dim3A_248 : f32 to vector<16xf32>
    %swap3A_250 = arith.constant 3 : i32
    %swap3A_251 = arith.index_cast %swap3A_250 : i32 to index
    %swap3A_252 = arith.constant 112 : index
    %swap3A_253 = tpu.vector_load %arg11[%swap3A_251, %swap3A_252] {strides = array<i32>} : memref<8x128xf32, #tpu.memory_space<vmem>>, vector<16xf32>,
    tpu.vector_store %arg11[%swap3A_251, %swap3A_252], %broadcast_in_dim3A_249 {strides = array<i32>} : memref<8x128xf32, #tpu.memory_space<vmem>>, vector<16xf32>,
    %broadcast_in_dim3A_254 = arith.constant 0.000000e+00 : f32
    %broadcast_in_dim3A_255 = vector.broadcast %broadcast_in_dim3A_254 : f32 to vector<16xf32>
    %swap3A_256 = arith.constant 4 : i32
    %swap3A_257 = arith.index_cast %swap3A_256 : i32 to index
    %swap3A_258 = arith.constant 0 : index
    %swap3A_259 = tpu.vector_load %arg11[%swap3A_257, %swap3A_258] {strides = array<i32>} : memref<8x128xf32, #tpu.memory_space<vmem>>, vector<16xf32>,
    tpu.vector_store %arg11[%swap3A_257, %swap3A_258], %broadcast_in_dim3A_255 {strides = array<i32>} : memref<8x128xf32, #tpu.memory_space<vmem>>, vector<16xf32>,
    %broadcast_in_dim3A_260 = arith.constant 0.000000e+00 : f32
    %broadcast_in_dim3A_261 = vector.broadcast %broadcast_in_dim3A_260 : f32 to vector<16xf32>
    %swap3A_262 = arith.constant 4 : i32
    %swap3A_263 = arith.index_cast %swap3A_262 : i32 to index
    %swap3A_264 = arith.constant 16 : index
    %swap3A_265 = tpu.vector_load %arg11[%swap3A_263, %swap3A_264] {strides = array<i32>} : memref<8x128xf32, #tpu.memory_space<vmem>>, vector<16xf32>,
    tpu.vector_store %arg11[%swap3A_263, %swap3A_264], %broadcast_in_dim3A_261 {strides = array<i32>} : memref<8x128xf32, #tpu.memory_space<vmem>>, vector<16xf32>,
    %broadcast_in_dim3A_266 = arith.constant 0.000000e+00 : f32
    %broadcast_in_dim3A_267 = vector.broadcast %broadcast_in_dim3A_266 : f32 to vector<16xf32>
    %swap3A_268 = arith.constant 4 : i32
    %swap3A_269 = arith.index_cast %swap3A_268 : i32 to index
    %swap3A_270 = arith.constant 32 : index
    %swap3A_271 = tpu.vector_load %arg11[%swap3A_269, %swap3A_270] {strides = array<i32>} : memref<8x128xf32, #tpu.memory_space<vmem>>, vector<16xf32>,
    tpu.vector_store %arg11[%swap3A_269, %swap3A_270], %broadcast_in_dim3A_267 {strides = array<i32>} : memref<8x128xf32, #tpu.memory_space<vmem>>, vector<16xf32>,
    %broadcast_in_dim3A_272 = arith.constant 0.000000e+00 : f32
    %broadcast_in_dim3A_273 = vector.broadcast %broadcast_in_dim3A_272 : f32 to vector<16xf32>
    %swap3A_274 = arith.constant 4 : i32
    %swap3A_275 = arith.index_cast %swap3A_274 : i32 to index
    %swap3A_276 = arith.constant 48 : index
    %swap3A_277 = tpu.vector_load %arg11[%swap3A_275, %swap3A_276] {strides = array<i32>} : memref<8x128xf32, #tpu.memory_space<vmem>>, vector<16xf32>,
    tpu.vector_store %arg11[%swap3A_275, %swap3A_276], %broadcast_in_dim3A_273 {strides = array<i32>} : memref<8x128xf32, #tpu.memory_space<vmem>>, vector<16xf32>,
    %broadcast_in_dim3A_278 = arith.constant 0.000000e+00 : f32
    %broadcast_in_dim3A_279 = vector.broadcast %broadcast_in_dim3A_278 : f32 to vector<16xf32>
    %swap3A_280 = arith.constant 4 : i32
    %swap3A_281 = arith.index_cast %swap3A_280 : i32 to index
    %swap3A_282 = arith.constant 64 : index
    %swap3A_283 = tpu.vector_load %arg11[%swap3A_281, %swap3A_282] {strides = array<i32>} : memref<8x128xf32, #tpu.memory_space<vmem>>, vector<16xf32>,
    tpu.vector_store %arg11[%swap3A_281, %swap3A_282], %broadcast_in_dim3A_279 {strides = array<i32>} : memref<8x128xf32, #tpu.memory_space<vmem>>, vector<16xf32>,
    %broadcast_in_dim3A_284 = arith.constant 0.000000e+00 : f32
    %broadcast_in_dim3A_285 = vector.broadcast %broadcast_in_dim3A_284 : f32 to vector<16xf32>
    %swap3A_286 = arith.constant 4 : i32
    %swap3A_287 = arith.index_cast %swap3A_286 : i32 to index
    %swap3A_288 = arith.constant 80 : index
    %swap3A_289 = tpu.vector_load %arg11[%swap3A_287, %swap3A_288] {strides = array<i32>} : memref<8x128xf32, #tpu.memory_space<vmem>>, vector<16xf32>,
    tpu.vector_store %arg11[%swap3A_287, %swap3A_288], %broadcast_in_dim3A_285 {strides = array<i32>} : memref<8x128xf32, #tpu.memory_space<vmem>>, vector<16xf32>,
    %broadcast_in_dim3A_290 = arith.constant 0.000000e+00 : f32
    %broadcast_in_dim3A_291 = vector.broadcast %broadcast_in_dim3A_290 : f32 to vector<16xf32>
    %swap3A_292 = arith.constant 4 : i32
    %swap3A_293 = arith.index_cast %swap3A_292 : i32 to index
    %swap3A_294 = arith.constant 96 : index
    %swap3A_295 = tpu.vector_load %arg11[%swap3A_293, %swap3A_294] {strides = array<i32>} : memref<8x128xf32, #tpu.memory_space<vmem>>, vector<16xf32>,
    tpu.vector_store %arg11[%swap3A_293, %swap3A_294], %broadcast_in_dim3A_291 {strides = array<i32>} : memref<8x128xf32, #tpu.memory_space<vmem>>, vector<16xf32>,
    %broadcast_in_dim3A_296 = arith.constant 0.000000e+00 : f32
    %broadcast_in_dim3A_297 = vector.broadcast %broadcast_in_dim3A_296 : f32 to vector<16xf32>
    %swap3A_298 = arith.constant 4 : i32
    %swap3A_299 = arith.index_cast %swap3A_298 : i32 to index
    %swap3A_300 = arith.constant 112 : index
    %swap3A_301 = tpu.vector_load %arg11[%swap3A_299, %swap3A_300] {strides = array<i32>} : memref<8x128xf32, #tpu.memory_space<vmem>>, vector<16xf32>,
    tpu.vector_store %arg11[%swap3A_299, %swap3A_300], %broadcast_in_dim3A_297 {strides = array<i32>} : memref<8x128xf32, #tpu.memory_space<vmem>>, vector<16xf32>,
    %broadcast_in_dim3A_302 = arith.constant 0.000000e+00 : f32
    %broadcast_in_dim3A_303 = vector.broadcast %broadcast_in_dim3A_302 : f32 to vector<16xf32>
    %swap3A_304 = arith.constant 5 : i32
    %swap3A_305 = arith.index_cast %swap3A_304 : i32 to index
    %swap3A_306 = arith.constant 0 : index
    %swap3A_307 = tpu.vector_load %arg11[%swap3A_305, %swap3A_306] {strides = array<i32>} : memref<8x128xf32, #tpu.memory_space<vmem>>, vector<16xf32>,
    tpu.vector_store %arg11[%swap3A_305, %swap3A_306], %broadcast_in_dim3A_303 {strides = array<i32>} : memref<8x128xf32, #tpu.memory_space<vmem>>, vector<16xf32>,
    %broadcast_in_dim3A_308 = arith.constant 0.000000e+00 : f32
    %broadcast_in_dim3A_309 = vector.broadcast %broadcast_in_dim3A_308 : f32 to vector<16xf32>
    %swap3A_310 = arith.constant 5 : i32
    %swap3A_311 = arith.index_cast %swap3A_310 : i32 to index
    %swap3A_312 = arith.constant 16 : index
    %swap3A_313 = tpu.vector_load %arg11[%swap3A_311, %swap3A_312] {strides = array<i32>} : memref<8x128xf32, #tpu.memory_space<vmem>>, vector<16xf32>,
    tpu.vector_store %arg11[%swap3A_311, %swap3A_312], %broadcast_in_dim3A_309 {strides = array<i32>} : memref<8x128xf32, #tpu.memory_space<vmem>>, vector<16xf32>,
    %broadcast_in_dim3A_314 = arith.constant 0.000000e+00 : f32
    %broadcast_in_dim3A_315 = vector.broadcast %broadcast_in_dim3A_314 : f32 to vector<16xf32>
    %swap3A_316 = arith.constant 5 : i32
    %swap3A_317 = arith.index_cast %swap3A_316 : i32 to index
    %swap3A_318 = arith.constant 32 : index
    %swap3A_319 = tpu.vector_load %arg11[%swap3A_317, %swap3A_318] {strides = array<i32>} : memref<8x128xf32, #tpu.memory_space<vmem>>, vector<16xf32>,
    tpu.vector_store %arg11[%swap3A_317, %swap3A_318], %broadcast_in_dim3A_315 {strides = array<i32>} : memref<8x128xf32, #tpu.memory_space<vmem>>, vector<16xf32>,
    %broadcast_in_dim3A_320 = arith.constant 0.000000e+00 : f32
    %broadcast_in_dim3A_321 = vector.broadcast %broadcast_in_dim3A_320 : f32 to vector<16xf32>
    %swap3A_322 = arith.constant 5 : i32
    %swap3A_323 = arith.index_cast %swap3A_322 : i32 to index
    %swap3A_324 = arith.constant 48 : index
    %swap3A_325 = tpu.vector_load %arg11[%swap3A_323, %swap3A_324] {strides = array<i32>} : memref<8x128xf32, #tpu.memory_space<vmem>>, vector<16xf32>,
    tpu.vector_store %arg11[%swap3A_323, %swap3A_324], %broadcast_in_dim3A_321 {strides = array<i32>} : memref<8x128xf32, #tpu.memory_space<vmem>>, vector<16xf32>,
    %broadcast_in_dim3A_326 = arith.constant 0.000000e+00 : f32
    %broadcast_in_dim3A_327 = vector.broadcast %broadcast_in_dim3A_326 : f32 to vector<16xf32>
    %swap3A_328 = arith.constant 5 : i32
    %swap3A_329 = arith.index_cast %swap3A_328 : i32 to index
    %swap3A_330 = arith.constant 64 : index
    %swap3A_331 = tpu.vector_load %arg11[%swap3A_329, %swap3A_330] {strides = array<i32>} : memref<8x128xf32, #tpu.memory_space<vmem>>, vector<16xf32>,
    tpu.vector_store %arg11[%swap3A_329, %swap3A_330], %broadcast_in_dim3A_327 {strides = array<i32>} : memref<8x128xf32, #tpu.memory_space<vmem>>, vector<16xf32>,
    %broadcast_in_dim3A_332 = arith.constant 0.000000e+00 : f32
    %broadcast_in_dim3A_333 = vector.broadcast %broadcast_in_dim3A_332 : f32 to vector<16xf32>
    %swap3A_334 = arith.constant 5 : i32
    %swap3A_335 = arith.index_cast %swap3A_334 : i32 to index
    %swap3A_336 = arith.constant 80 : index
    %swap3A_337 = tpu.vector_load %arg11[%swap3A_335, %swap3A_336] {strides = array<i32>} : memref<8x128xf32, #tpu.memory_space<vmem>>, vector<16xf32>,
    tpu.vector_store %arg11[%swap3A_335, %swap3A_336], %broadcast_in_dim3A_333 {strides = array<i32>} : memref<8x128xf32, #tpu.memory_space<vmem>>, vector<16xf32>,
    %broadcast_in_dim3A_338 = arith.constant 0.000000e+00 : f32
    %broadcast_in_dim3A_339 = vector.broadcast %broadcast_in_dim3A_338 : f32 to vector<16xf32>
    %swap3A_340 = arith.constant 5 : i32
    %swap3A_341 = arith.index_cast %swap3A_340 : i32 to index
    %swap3A_342 = arith.constant 96 : index
    %swap3A_343 = tpu.vector_load %arg11[%swap3A_341, %swap3A_342] {strides = array<i32>} : memref<8x128xf32, #tpu.memory_space<vmem>>, vector<16xf32>,
    tpu.vector_store %arg11[%swap3A_341, %swap3A_342], %broadcast_in_dim3A_339 {strides = array<i32>} : memref<8x128xf32, #tpu.memory_space<vmem>>, vector<16xf32>,
    %broadcast_in_dim3A_344 = arith.constant 0.000000e+00 : f32
    %broadcast_in_dim3A_345 = vector.broadcast %broadcast_in_dim3A_344 : f32 to vector<16xf32>
    %swap3A_346 = arith.constant 5 : i32
    %swap3A_347 = arith.index_cast %swap3A_346 : i32 to index
    %swap3A_348 = arith.constant 112 : index
    %swap3A_349 = tpu.vector_load %arg11[%swap3A_347, %swap3A_348] {strides = array<i32>} : memref<8x128xf32, #tpu.memory_space<vmem>>, vector<16xf32>,
    tpu.vector_store %arg11[%swap3A_347, %swap3A_348], %broadcast_in_dim3A_345 {strides = array<i32>} : memref<8x128xf32, #tpu.memory_space<vmem>>, vector<16xf32>,
    %broadcast_in_dim3A_350 = arith.constant 0.000000e+00 : f32
    %broadcast_in_dim3A_351 = vector.broadcast %broadcast_in_dim3A_350 : f32 to vector<16xf32>
    %swap3A_352 = arith.constant 6 : i32
    %swap3A_353 = arith.index_cast %swap3A_352 : i32 to index
    %swap3A_354 = arith.constant 0 : index
    %swap3A_355 = tpu.vector_load %arg11[%swap3A_353, %swap3A_354] {strides = array<i32>} : memref<8x128xf32, #tpu.memory_space<vmem>>, vector<16xf32>,
    tpu.vector_store %arg11[%swap3A_353, %swap3A_354], %broadcast_in_dim3A_351 {strides = array<i32>} : memref<8x128xf32, #tpu.memory_space<vmem>>, vector<16xf32>,
    %broadcast_in_dim3A_356 = arith.constant 0.000000e+00 : f32
    %broadcast_in_dim3A_357 = vector.broadcast %broadcast_in_dim3A_356 : f32 to vector<16xf32>
    %swap3A_358 = arith.constant 6 : i32
    %swap3A_359 = arith.index_cast %swap3A_358 : i32 to index
    %swap3A_360 = arith.constant 16 : index
    %swap3A_361 = tpu.vector_load %arg11[%swap3A_359, %swap3A_360] {strides = array<i32>} : memref<8x128xf32, #tpu.memory_space<vmem>>, vector<16xf32>,
    tpu.vector_store %arg11[%swap3A_359, %swap3A_360], %broadcast_in_dim3A_357 {strides = array<i32>} : memref<8x128xf32, #tpu.memory_space<vmem>>, vector<16xf32>,
    %broadcast_in_dim3A_362 = arith.constant 0.000000e+00 : f32
    %broadcast_in_dim3A_363 = vector.broadcast %broadcast_in_dim3A_362 : f32 to vector<16xf32>
    %swap3A_364 = arith.constant 6 : i32
    %swap3A_365 = arith.index_cast %swap3A_364 : i32 to index
    %swap3A_366 = arith.constant 32 : index
    %swap3A_367 = tpu.vector_load %arg11[%swap3A_365, %swap3A_366] {strides = array<i32>} : memref<8x128xf32, #tpu.memory_space<vmem>>, vector<16xf32>,
    tpu.vector_store %arg11[%swap3A_365, %swap3A_366], %broadcast_in_dim3A_363 {strides = array<i32>} : memref<8x128xf32, #tpu.memory_space<vmem>>, vector<16xf32>,
    %broadcast_in_dim3A_368 = arith.constant 0.000000e+00 : f32
    %broadcast_in_dim3A_369 = vector.broadcast %broadcast_in_dim3A_368 : f32 to vector<16xf32>
    %swap3A_370 = arith.constant 6 : i32
    %swap3A_371 = arith.index_cast %swap3A_370 : i32 to index
    %swap3A_372 = arith.constant 48 : index
    %swap3A_373 = tpu.vector_load %arg11[%swap3A_371, %swap3A_372] {strides = array<i32>} : memref<8x128xf32, #tpu.memory_space<vmem>>, vector<16xf32>,
    tpu.vector_store %arg11[%swap3A_371, %swap3A_372], %broadcast_in_dim3A_369 {strides = array<i32>} : memref<8x128xf32, #tpu.memory_space<vmem>>, vector<16xf32>,
    %broadcast_in_dim3A_374 = arith.constant 0.000000e+00 : f32
    %broadcast_in_dim3A_375 = vector.broadcast %broadcast_in_dim3A_374 : f32 to vector<16xf32>
    %swap3A_376 = arith.constant 6 : i32
    %swap3A_377 = arith.index_cast %swap3A_376 : i32 to index
    %swap3A_378 = arith.constant 64 : index
    %swap3A_379 = tpu.vector_load %arg11[%swap3A_377, %swap3A_378] {strides = array<i32>} : memref<8x128xf32, #tpu.memory_space<vmem>>, vector<16xf32>,
    tpu.vector_store %arg11[%swap3A_377, %swap3A_378], %broadcast_in_dim3A_375 {strides = array<i32>} : memref<8x128xf32, #tpu.memory_space<vmem>>, vector<16xf32>,
    %broadcast_in_dim3A_380 = arith.constant 0.000000e+00 : f32
    %broadcast_in_dim3A_381 = vector.broadcast %broadcast_in_dim3A_380 : f32 to vector<16xf32>
    %swap3A_382 = arith.constant 6 : i32
    %swap3A_383 = arith.index_cast %swap3A_382 : i32 to index
    %swap3A_384 = arith.constant 80 : index
    %swap3A_385 = tpu.vector_load %arg11[%swap3A_383, %swap3A_384] {strides = array<i32>} : memref<8x128xf32, #tpu.memory_space<vmem>>, vector<16xf32>,
    tpu.vector_store %arg11[%swap3A_383, %swap3A_384], %broadcast_in_dim3A_381 {strides = array<i32>} : memref<8x128xf32, #tpu.memory_space<vmem>>, vector<16xf32>,
    %broadcast_in_dim3A_386 = arith.constant 0.000000e+00 : f32
    %broadcast_in_dim3A_387 = vector.broadcast %broadcast_in_dim3A_386 : f32 to vector<16xf32>
    %swap3A_388 = arith.constant 6 : i32
    %swap3A_389 = arith.index_cast %swap3A_388 : i32 to index
    %swap3A_390 = arith.constant 96 : index
    %swap3A_391 = tpu.vector_load %arg11[%swap3A_389, %swap3A_390] {strides = array<i32>} : memref<8x128xf32, #tpu.memory_space<vmem>>, vector<16xf32>,
    tpu.vector_store %arg11[%swap3A_389, %swap3A_390], %broadcast_in_dim3A_387 {strides = array<i32>} : memref<8x128xf32, #tpu.memory_space<vmem>>, vector<16xf32>,
    %broadcast_in_dim3A_392 = arith.constant 0.000000e+00 : f32
    %broadcast_in_dim3A_393 = vector.broadcast %broadcast_in_dim3A_392 : f32 to vector<16xf32>
    %swap3A_394 = arith.constant 6 : i32
    %swap3A_395 = arith.index_cast %swap3A_394 : i32 to index
    %swap3A_396 = arith.constant 112 : index
    %swap3A_397 = tpu.vector_load %arg11[%swap3A_395, %swap3A_396] {strides = array<i32>} : memref<8x128xf32, #tpu.memory_space<vmem>>, vector<16xf32>,
    tpu.vector_store %arg11[%swap3A_395, %swap3A_396], %broadcast_in_dim3A_393 {strides = array<i32>} : memref<8x128xf32, #tpu.memory_space<vmem>>, vector<16xf32>,
    %broadcast_in_dim3A_398 = arith.constant 0.000000e+00 : f32
    %broadcast_in_dim3A_399 = vector.broadcast %broadcast_in_dim3A_398 : f32 to vector<16xf32>
    %swap3A_400 = arith.constant 7 : i32
    %swap3A_401 = arith.index_cast %swap3A_400 : i32 to index
    %swap3A_402 = arith.constant 0 : index
    %swap3A_403 = tpu.vector_load %arg11[%swap3A_401, %swap3A_402] {strides = array<i32>} : memref<8x128xf32, #tpu.memory_space<vmem>>, vector<16xf32>,
    tpu.vector_store %arg11[%swap3A_401, %swap3A_402], %broadcast_in_dim3A_399 {strides = array<i32>} : memref<8x128xf32, #tpu.memory_space<vmem>>, vector<16xf32>,
    %broadcast_in_dim3A_404 = arith.constant 0.000000e+00 : f32
    %broadcast_in_dim3A_405 = vector.broadcast %broadcast_in_dim3A_404 : f32 to vector<16xf32>
    %swap3A_406 = arith.constant 7 : i32
    %swap3A_407 = arith.index_cast %swap3A_406 : i32 to index
    %swap3A_408 = arith.constant 16 : index
    %swap3A_409 = tpu.vector_load %arg11[%swap3A_407, %swap3A_408] {strides = array<i32>} : memref<8x128xf32, #tpu.memory_space<vmem>>, vector<16xf32>,
    tpu.vector_store %arg11[%swap3A_407, %swap3A_408], %broadcast_in_dim3A_405 {strides = array<i32>} : memref<8x128xf32, #tpu.memory_space<vmem>>, vector<16xf32>,
    %broadcast_in_dim3A_410 = arith.constant 0.000000e+00 : f32
    %broadcast_in_dim3A_411 = vector.broadcast %broadcast_in_dim3A_410 : f32 to vector<16xf32>
    %swap3A_412 = arith.constant 7 : i32
    %swap3A_413 = arith.index_cast %swap3A_412 : i32 to index
    %swap3A_414 = arith.constant 32 : index
    %swap3A_415 = tpu.vector_load %arg11[%swap3A_413, %swap3A_414] {strides = array<i32>} : memref<8x128xf32, #tpu.memory_space<vmem>>, vector<16xf32>,
    tpu.vector_store %arg11[%swap3A_413, %swap3A_414], %broadcast_in_dim3A_411 {strides = array<i32>} : memref<8x128xf32, #tpu.memory_space<vmem>>, vector<16xf32>,
    %broadcast_in_dim3A_416 = arith.constant 0.000000e+00 : f32
    %broadcast_in_dim3A_417 = vector.broadcast %broadcast_in_dim3A_416 : f32 to vector<16xf32>
    %swap3A_418 = arith.constant 7 : i32
    %swap3A_419 = arith.index_cast %swap3A_418 : i32 to index
    %swap3A_420 = arith.constant 48 : index
    %swap3A_421 = tpu.vector_load %arg11[%swap3A_419, %swap3A_420] {strides = array<i32>} : memref<8x128xf32, #tpu.memory_space<vmem>>, vector<16xf32>,
    tpu.vector_store %arg11[%swap3A_419, %swap3A_420], %broadcast_in_dim3A_417 {strides = array<i32>} : memref<8x128xf32, #tpu.memory_space<vmem>>, vector<16xf32>,
    %broadcast_in_dim3A_422 = arith.constant 0.000000e+00 : f32
    %broadcast_in_dim3A_423 = vector.broadcast %broadcast_in_dim3A_422 : f32 to vector<16xf32>
    %swap3A_424 = arith.constant 7 : i32
    %swap3A_425 = arith.index_cast %swap3A_424 : i32 to index
    %swap3A_426 = arith.constant 64 : index
    %swap3A_427 = tpu.vector_load %arg11[%swap3A_425, %swap3A_426] {strides = array<i32>} : memref<8x128xf32, #tpu.memory_space<vmem>>, vector<16xf32>,
    tpu.vector_store %arg11[%swap3A_425, %swap3A_426], %broadcast_in_dim3A_423 {strides = array<i32>} : memref<8x128xf32, #tpu.memory_space<vmem>>, vector<16xf32>,
    %broadcast_in_dim3A_428 = arith.constant 0.000000e+00 : f32
    %broadcast_in_dim3A_429 = vector.broadcast %broadcast_in_dim3A_428 : f32 to vector<16xf32>
    %swap3A_430 = arith.constant 7 : i32
    %swap3A_431 = arith.index_cast %swap3A_430 : i32 to index
    %swap3A_432 = arith.constant 80 : index
    %swap3A_433 = tpu.vector_load %arg11[%swap3A_431, %swap3A_432] {strides = array<i32>} : memref<8x128xf32, #tpu.memory_space<vmem>>, vector<16xf32>,
    tpu.vector_store %arg11[%swap3A_431, %swap3A_432], %broadcast_in_dim3A_429 {strides = array<i32>} : memref<8x128xf32, #tpu.memory_space<vmem>>, vector<16xf32>,
    %broadcast_in_dim3A_434 = arith.constant 0.000000e+00 : f32
    %broadcast_in_dim3A_435 = vector.broadcast %broadcast_in_dim3A_434 : f32 to vector<16xf32>
    %swap3A_436 = arith.constant 7 : i32
    %swap3A_437 = arith.index_cast %swap3A_436 : i32 to index
    %swap3A_438 = arith.constant 96 : index
    %swap3A_439 = tpu.vector_load %arg11[%swap3A_437, %swap3A_438] {strides = array<i32>} : memref<8x128xf32, #tpu.memory_space<vmem>>, vector<16xf32>,
    tpu.vector_store %arg11[%swap3A_437, %swap3A_438], %broadcast_in_dim3A_435 {strides = array<i32>} : memref<8x128xf32, #tpu.memory_space<vmem>>, vector<16xf32>,
    %broadcast_in_dim3A_440 = arith.constant 0.000000e+00 : f32
    %broadcast_in_dim3A_441 = vector.broadcast %broadcast_in_dim3A_440 : f32 to vector<16xf32>
    %swap3A_442 = arith.constant 7 : i32
    %swap3A_443 = arith.index_cast %swap3A_442 : i32 to index
    %swap3A_444 = arith.constant 112 : index
    %swap3A_445 = tpu.vector_load %arg11[%swap3A_443, %swap3A_444] {strides = array<i32>} : memref<8x128xf32, #tpu.memory_space<vmem>>, vector<16xf32>,
    tpu.vector_store %arg11[%swap3A_443, %swap3A_444], %broadcast_in_dim3A_441 {strides = array<i32>} : memref<8x128xf32, #tpu.memory_space<vmem>>, vector<16xf32>,
    %mul3A_446 = arith.constant 9.53674316E-7 : f32
    %mul3A_447 = vector.broadcast %mul3A_446 : f32 to vector<16xf32>
    %mul3A_448 = arith.mulf %add3A_62, %mul3A_447 : vector<16xf32>
    %swap3A_449 = arith.constant 0 : i32
    %swap3A_450 = arith.index_cast %swap3A_449 : i32 to index
    %swap3A_451 = arith.constant 0 : index
    %swap3A_452 = tpu.vector_load %arg11[%swap3A_450, %swap3A_451] {strides = array<i32>} : memref<8x128xf32, #tpu.memory_space<vmem>>, vector<16xf32>,
    tpu.vector_store %arg11[%swap3A_450, %swap3A_451], %mul3A_448 {strides = array<i32>} : memref<8x128xf32, #tpu.memory_space<vmem>>, vector<16xf32>,
    "tpu.region"() ({
      %run_scoped3A = tpu.sem_alloc : memref<!tpu.dma_semaphore, #tpu.memory_space<semaphore_mem>>
      %dma_start3A_453 = arith.constant 0 : i32
      %dma_start3A_454 = arith.constant 0 : i32
      %dma_start3A_455 = tpu.memref_slice %arg6[%add3A, %dma_start3A_453, %dma_start3A_454] : memref<32x8x128xf32, #tpu.memory_space<hbm>> -> memref<1x8x128xf32, #tpu.memory_space<hbm>>
      %dma_start3A_456 = tpu.memref_squeeze %dma_start3A_455 : memref<1x8x128xf32, #tpu.memory_space<hbm>> -> memref<8x128xf32, #tpu.memory_space<hbm>>
      %dma_start3A_457 = arith.constant 0 : i32
      %dma_start3A_458 = arith.constant 0 : i32
      %dma_start3A_459 = tpu.memref_slice %arg6[%add3A, %dma_start3A_457, %dma_start3A_458] : memref<32x8x128xf32, #tpu.memory_space<hbm>> -> memref<1x8x128xf32, #tpu.memory_space<hbm>>
      %dma_start3A_460 = tpu.memref_squeeze %dma_start3A_459 : memref<1x8x128xf32, #tpu.memory_space<hbm>> -> memref<8x128xf32, #tpu.memory_space<hbm>>
      tpu.enqueue_dma source(%arg11 : memref<8x128xf32, #tpu.memory_space<vmem>>) target(%dma_start3A_460 : memref<8x128xf32, #tpu.memory_space<hbm>>) target_semaphore(%run_scoped3A : memref<!tpu.dma_semaphore, #tpu.memory_space<semaphore_mem>>)
      %dma_wait3A_461 = arith.constant 0 : i32
      %dma_wait3A_462 = arith.constant 0 : i32
      %dma_wait3A_463 = tpu.memref_slice %arg6[%add3A, %dma_wait3A_461, %dma_wait3A_462] : memref<32x8x128xf32, #tpu.memory_space<hbm>> -> memref<1x8x128xf32, #tpu.memory_space<hbm>>
      %dma_wait3A_464 = tpu.memref_squeeze %dma_wait3A_463 : memref<1x8x128xf32, #tpu.memory_space<hbm>> -> memref<8x128xf32, #tpu.memory_space<hbm>>
      %dma_wait3A_465 = arith.constant 0 : i32
      %dma_wait3A_466 = arith.constant 0 : i32
      %dma_wait3A_467 = tpu.memref_slice %arg6[%add3A, %dma_wait3A_465, %dma_wait3A_466] : memref<32x8x128xf32, #tpu.memory_space<hbm>> -> memref<1x8x128xf32, #tpu.memory_space<hbm>>
      %dma_wait3A_468 = tpu.memref_squeeze %dma_wait3A_467 : memref<1x8x128xf32, #tpu.memory_space<hbm>> -> memref<8x128xf32, #tpu.memory_space<hbm>>
      tpu.wait_dma2 semaphore(%run_scoped3A : memref<!tpu.dma_semaphore, #tpu.memory_space<semaphore_mem>>) src(%arg11 : memref<8x128xf32, #tpu.memory_space<vmem>>) dst(%dma_wait3A_468 : memref<8x128xf32, #tpu.memory_space<hbm>>)
      tpu.yield
    }) : () -> ()
    return
  }
}

</mosaic_0001>

<sc_bundles>
// kernel: kernel.3.cloned.1.call-start
scs
__scs_entry_jumppad:
0x0: {  	(pc) =	sbr.rel $0x88, $3  }
0x1: {  	(tag) =	ssettag $0x0;
	lr =	simm.s32 $0x1  }
0x2: {  	[smem:$0x3F9E] =	sst lr;
	_ =	strace $0xD0000000  }
0x3: {  	_ = 	snop  }
0x4: {  	_ = 	snop  }
0x5: {  	_ = 	snop  }
0x6: {  	_ = 	snop  }
0x7: {  	_ = 	snop  }
__scs_overlays_trampoline_lowered:
0x8: {  	[smem:$0x3FAD] =	sst s0  }
0x9: {  	[smem:$0x3FAE] =	sst s1  }
0xa: {  	[smem:$0x3FAF] =	sst s2  }
0xb: {  	[smem:$0x3FB0] =	sst s3  }
0xc: {  	[smem:$0x3FB1] =	sst s4  }
0xd: {  	[smem:$0x3FB2] =	sst s5  }
0xe: {  	[smem:$0x3FB3] =	sst s6  }
0xf: {  	[smem:$0x3FB4] =	sst s7  }
0x10: {  	[smem:$0x3FB5] =	sst s8  }
0x11: {  	[smem:$0x3FB6] =	sst s9;
	s0 =	simm.s32 @!p0 $0x0  }
0x12: {  	s1 =	sld [smem:$0x3F9C];
	s0 =	simm.s32 @p0 $0x1  }
0x13: {  	[smem:$0x3FB7] =	sst s0;
	s0 =	simm.s32 @!p1 $0x0  }
0x14: {  	s2 =	sld [smem:$0x3F9B];
	s0 =	simm.s32 @p1 $0x1  }
0x15: {  	[smem:$0x3FB8] =	sst s0;
	s0 =	simm.s32 @!p2 $0x0  }
0x16: {  	s3 =	sld [smem:$0x3FDB];
	s0 =	simm.s32 @p2 $0x1  }
0x17: {  	s4 =	simm.s32 $0x1BF5;
	[smem:$0x3FBA] =	sst s0  }
0x18: {  	s0 =	sld [smem:$0x3F9D];
	_ =	swait.ge [sflag:s4], $0x0  }
0x19: {  	s7 =	sld [smem:$0x3F9E]  }
0x1a: {  	s8 =	sadd.s32 $0xFFFFE003, lr  }
0x1b: {  	s9 =	sadd.s32 $0xFFFFFEF7, lr;
	s5 =	simm.s32 $0xFFFFFFFF;
	p2 =	slt.u32 s8, $0xFFFFF086  }
0x1c: {  	p1 =	slt.u32 s9, $0xF7A;
	s5 =	simm.s32 @!p2 $0x0  }
0x1d: {  	s5 =	simm.s32 @p1 $0x1;
	p0 =	seq.s32 s7, s2  }
0x1e: {  	s7 =	smul.u32 @!p0 $0xF7A, s2;
	p2 =	seq.s32 @!p0 s5, $0x0  }
0x1f: {  	s9 =	smul.u32 $0xF7A, s1;
	s8 =	simm.s32 @!p0 $0x1BF5;
	p2 =	por !p2, p0  }
0x20: {  	[sflag:s8] =	ssyncset.s32 @!p0 $0xFFFFF086;
	s6 =	sadd.s32 @!p0 s3, s7;
	s7 =	simm.s32 @!p0 $0x108  }
0x21: {  	s3 =	sadd.s32 s3, s9;
	s6 =	sadd.s32 @!p0 $0x88, s6;
	s7 =	simm.s32 @p2 $0x1082  }
0x22: {  	[simem:s7], [sflag:s8] =	dma.local @!p0 [hbm:s6], $0xF7A  }
0x23: {  	s9 =	sor.u32 $0xD0000000, s2;
	s6 =	simm.s32 $0x108;
	_ =	swait.ge @!p0 [sflag:s8], $0x0  }
0x24: {  	s3 =	sadd.s32 $0x88, s3;
	s6 =	simm.s32 @!p1 $0x1082;
	[sflag:s4] =	ssyncset.s32 $0xFFFFF086  }
0x25: {  	[simem:s6], [sflag:s4] =	dma.local [hbm:s3], $0xF7A  }
0x26: {  	[smem:$0x3F9E] =	sst s1;
	(tag) =	ssettag s2;
	_ =	strace s9  }
0x27: {  	s1 =	sld [smem:$0x3FAE]  }
0x28: {  	s2 =	sld [smem:$0x3FAF]  }
0x29: {  	s4 =	sld [smem:$0x3FB1]  }
0x2a: {  	p0 =	seq.s32 s5, $0x0;
	s5 =	sld [smem:$0x3FB2]  }
0x2b: {  	s6 =	sld [smem:$0x3FB3]  }
0x2c: {  	s7 =	sld [smem:$0x3FB4]  }
0x2d: {  	s3 =	simm.s32 $0x108;
	s8 =	sld [smem:$0x3FB5]  }
0x2e: {  	s3 =	simm.s32 @!p0 $0x1082;
	s9 =	sld [smem:$0x3FB6]  }
0x2f: {  	lr =	sadd.s32 s0, s3;
	s0 =	sld [smem:$0x3FAD]  }
0x30: {  	s3 =	sld [smem:$0x3FB0]  }
0x31: {  	[smem:$0x3FB9] =	sst s10  }
0x32: {  	s10 =	sld [smem:$0x3FB7];
	_ =	sdelay $0x3  }
0x33: {  	p0 =	seq.s32 s10, $0x1;
	s10 =	sld [smem:$0x3FB9];
	_ =	sdelay $0x3  }
0x34: {  	[smem:$0x3FB9] =	sst s10  }
0x35: {  	s10 =	sld [smem:$0x3FB8];
	_ =	sdelay $0x3  }
0x36: {  	p1 =	seq.s32 s10, $0x1;
	s10 =	sld [smem:$0x3FB9];
	_ =	sdelay $0x3  }
0x37: {  	[smem:$0x3FB9] =	sst s10  }
0x38: {  	s10 =	sld [smem:$0x3FBA]  }
0x39: {  	_ = 	snop;
	(pc) =	sbr.ind lr, $3  }
0x3a: {  	_ = 	snop  }
0x3b: {  	_ = 	snop  }
0x3c: {  	p2 =	seq.s32 s10, $0x1;
	s10 =	sld [smem:$0x3FB9]  }
0x3d: {  	_ =	shalt  }
0x3e: {  	_ =	shalt  }
0x3f: {  	_ =	shalt  }
0x40: {  	_ =	shalt  }
0x41: {  	_ =	shalt  }
0x42: {  	_ =	shalt  }
0x43: {  	_ =	shalt  }
0x44: {  	_ =	shalt  }
0x45: {  	_ =	shalt  }
0x46: {  	_ =	shalt  }
0x47: {  	_ =	shalt  }
0x48: {  	_ =	shalt  }
0x49: {  	_ =	shalt  }
0x4a: {  	_ =	shalt  }
0x4b: {  	_ =	shalt  }
0x4c: {  	_ =	shalt  }
0x4d: {  	_ =	shalt  }
0x4e: {  	_ =	shalt  }
0x4f: {  	_ =	shalt  }
0x50: {  	_ =	shalt  }
0x51: {  	_ =	shalt  }
0x52: {  	_ =	shalt  }
0x53: {  	_ =	shalt  }
0x54: {  	_ =	shalt  }
0x55: {  	_ =	shalt  }
0x56: {  	_ =	shalt  }
0x57: {  	_ =	shalt  }
0x58: {  	_ =	shalt  }
0x59: {  	_ =	shalt  }
0x5a: {  	_ =	shalt  }
0x5b: {  	_ =	shalt  }
0x5c: {  	_ =	shalt  }
0x5d: {  	_ =	shalt  }
0x5e: {  	_ =	shalt  }
0x5f: {  	_ =	shalt  }
0x60: {  	_ =	shalt  }
0x61: {  	_ =	shalt  }
0x62: {  	_ =	shalt  }
0x63: {  	_ =	shalt  }
0x64: {  	_ =	shalt  }
0x65: {  	_ =	shalt  }
0x66: {  	_ =	shalt  }
0x67: {  	_ =	shalt  }
0x68: {  	_ =	shalt  }
0x69: {  	_ =	shalt  }
0x6a: {  	_ =	shalt  }
0x6b: {  	_ =	shalt  }
0x6c: {  	_ =	shalt  }
0x6d: {  	_ =	shalt  }
0x6e: {  	_ =	shalt  }
0x6f: {  	_ =	shalt  }
0x70: {  	_ =	shalt  }
0x71: {  	_ =	shalt  }
0x72: {  	_ =	shalt  }
0x73: {  	_ =	shalt  }
0x74: {  	_ =	shalt  }
0x75: {  	_ =	shalt  }
0x76: {  	_ =	shalt  }
0x77: {  	_ =	shalt  }
0x78: {  	_ =	shalt  }
0x79: {  	_ =	shalt  }
0x7a: {  	_ =	shalt  }
0x7b: {  	_ =	shalt  }
0x7c: {  	_ =	shalt  }
0x7d: {  	_ =	shalt  }
0x7e: {  	_ =	shalt  }
0x7f: {  	_ =	shalt  }
0x80: {  	_ =	shalt  }
0x81: {  	_ =	shalt  }
0x82: {  	_ =	shalt  }
0x83: {  	_ =	shalt  }
0x84: {  	_ =	shalt  }
0x85: {  	_ =	shalt  }
0x86: {  	_ =	shalt  }
0x87: {  	_ =	shalt  }
.Lfunc_end0:
.L_simem_size_0:
called_computation_lowered:
.L_overlay_start_0:
0x88: {  	s2 =	sld [smem:$0x3FD9]  }
0x89: {  	s3 =	sld [smem:$0x3FFE];
	_ =	sdelay $0x1  }
0x8a: {  	s1 =	srdreg.scid  }
0x8b: {  	s0 =	sand.u32 $0x1, s1  }
0x8c: {  	s17 =	sshll.u32 s0, $0xA;
	s2 =	sadd.s32 s3, s2  }
0x8d: {  	s2 =	sadd.s32 s2, s17  }
0x8e: {  	[smem:$0x3FC5] =	sst s2  }
0x8f: {  	_ = 	snop  }
0x90: {  	s2 =	sld [smem:$0x3FC9]  }
0x91: {  	s18 =	sld [smem:$0x3FC8]  }
0x92: {  	s4 =	sld [smem:$0x3FC7];
	(tm) =	ssettm $0x1  }
0x93: {  	s5 =	sld [smem:$0x3FFB];
	_ =	sdelay $0x3  }
0x94: {  	_ =	strace s5  }
0x95: {  	s5 =	sld [smem:$0x3FFC];
	_ =	sdelay $0x3  }
0x96: {  	_ =	strace s5  }
0x97: {  	s5 =	sld [smem:$0x3FFD];
	_ =	sdelay $0x3  }
0x98: {  	_ =	strace s5  }
0x99: {  	_ =	strace $0x8FFFFFFF  }
0x9a: {  	s19 =	sld [smem:$0x3FDB];
	_ =	sdelay $0x1  }
0x9b: {  	s6 =	simm.s32 $_scs_section_size  }
0x9c: {  	s7 =	simm.s32 $_size__tile_overlayer_lowered;
	s8 =	simm.s32 $_tile_overlayer_lowered  }
0x9d: {  	s22 =	simm.s32 $0x1BFF;
	s21 =	sshll.u32 s8, $0x1;
	s5 =	sadd.s32 s6, s19  }
0x9e: {  	s9 =	simm.s32 $0x0;
	s20 =	sshll.u32 s7, $0x1;
	s7 =	sadd.s32 s21, s5  }
0x9f: {  	[timem:s9], [sflag:s22] =	dma.local [hbm:s7], s20  }
0xa0: {  	_ =	swait.ge [sflag:s22], s20  }
0xa1: {  	s6 =	ssub.s32 $0x0, s20;
	[sflag:s22] =	ssyncset.done $0x0  }
0xa2: {  	[sflag:s22] =	ssyncadd.s32 s6;
	_ =	sdelay $0x1  }
0xa3: {  	s23 =	simm.s32 $0x1B8B  }
0xa4: {  	_ =	swait.ge [sflag:s23], $0x1  }
0xa5: {  	[sflag:s23] =	ssyncset.done $0x0  }
0xa6: {  	s25 =	simm.s32 $0x1B8E;
	s24 =	sld [smem:$0x3FFE];
	[sflag:s23] =	ssyncadd.s32 $0xFFFFFFFF  }
0xa7: {  	s26 =	simm.s32 $execute0_lowered;
	[smem:$0x3FD2] =	sst s25  }
0xa8: {  	s7 =	sshll.u32 s26, $0x1;
	_ =	strace $0x80000046;
	[dreg:$0x1] =	wrdreg $0xFFFFFFFF  }
0xa9: {  	s28 =	simm.s32 $_size_execute0_lowered;
	s5 =	sadd.s32 s5, s7;
	[dreg:$0x0] =	wrdreg $0x0  }
0xaa: {  	s7 =	sshll.u32 s28, $0x1;
	[dreg:$0x2] =	wrdreg s5  }
0xab: {  	[dreg:$0x3] =	wrdreg s7  }
0xac: {  	[dreg:$0x4] =	wrdreg $0xC0  }
0xad: {  	_ =	task [dreg:s9], $0x5FFFF  }
0xae: {  	[dreg:$0x1] =	wrdreg $0xFFFFFFFF  }
0xaf: {  	[dreg:$0x0] =	wrdreg $0x60  }
0xb0: {  	[dreg:$0x2] =	wrdreg s2  }
0xb1: {  	[dreg:$0x3] =	wrdreg s18  }
0xb2: {  	[dreg:$0x4] =	wrdreg s4  }
0xb3: {  	[dreg:$0x5] =	wrdreg s24  }
0xb4: {  	[dreg:$0x6] =	wrdreg $0x9  }
0xb5: {  	_ =	task.clear_ibuf [dreg:s9], $0x7FFFF;
	_ =	strace $0x90000046  }
0xb6: {  	s29 =	simm.s32 $0x9;
	_ =	strace $0x80000048  }
0xb7: {  	_ =	swait.ge [sflag:s29], $0x1  }
0xb8: {  	[sflag:s29] =	ssyncadd.s32 $0xFFFFFFFF  }
0xb9: {  	_ =	strace $0x90000048  }
0xba: {  	_ =	sfence  }
0xbb: {  	s30 =	sld [smem:$0x0];
	_ =	sdelay $0x2  }
0xbc: {  	s31 =	sshll.u32 s1, $0xD;
	s1 =	sshrl.u32 s1, $0x2  }
0xbd: {  	s3 =	sand.u32 $0x4000, s31;
	s1 =	sadd.s32 s1, s30  }
0xbe: {  	s0 =	sor.u32 s3, s0;
	s1 =	sshll.u32 s1, $0x11  }
0xbf: {  	s0 =	sor.u32 s1, s0  }
0xc0: {  	s0 =	sadd.s32 $0x8F2B, s0  }
0xc1: {  	[sflag:s0] =	ssyncadd.remote.s32 $0x1  }
0xc2: {  	_ =	sfence.sel $0xFFFF  }
0xc3: {  	[dreg:$0x0] =	wrdreg $0xFFFFFFFF;
	(pc) =	sbr.abs _section_cstart, $3  }
0xc4: {  	[dreg:$0x1] =	wrdreg $0xFFFFFFFF  }
0xc5: {  	_ =	task.clear_ibuf [dreg:s9], $0x2FFFF;
	_ =	strace $0x9FFFFFFF  }
0xc6: {  	(tm) =	ssettm $0x7FFFFFFF  }
0xc7: {  	_ =	shalt  }
tec
execute0_lowered:
.L_overlay_start_1:
0x0: {  	(tag) =	ssettag $0x1  }
0x1: {  	s0 =	rddreg [dreg:$0x0]  }
0x2: {  	s1 =	rddreg [dreg:$0x2]  }
0x3: {  	s2 =	rddreg [dreg:$0x3]  }
0x4: {  	s4 =	srdreg.scid;
	s7 =	stileid.u32  }
0x5: {  	s3 =	simm.s32 $0x0;
	s19 =	simm.s32 $0x80;
	s20 =	simm.s32 $0x400  }
0x6: {  	s21 =	simm.s32 $0x1C700;
	s22 =	simm.s32 $0x1D700;
	s23 =	simm.s32 $0x3  }
0x7: {  	s24 =	simm.s32 $0x18680;
	s29 =	simm.s32 $0x0;
	s4 =	sand.u32 $0x1, s4  }
0x8: {  	s5 =	sshll.u32 s7, $0x1;
	[smem:$0x7FF] =	sst s3;
	s7 =	sshrl.u32 s7, $0x1  }
0x9: {  	s13 =	sadd.s32 $0x1000, s0;
	s30 =	sadd.s32 $0x2000, s0;
	s15 =	sadd.s32 $0x3000, s0  }
0xa: {  	s5 =	sor.u32 s4, s5;
	_ =	strace $0x80000047;
	s4 =	ssub.s32 $0x2, s4  }
0xb: {  	s10 =	sshll.u32 s7, $0x11;
	s11 =	smul.u32 $0xC3800, s7;
	s12 =	sshll.u32 s7, $0xA  }
0xc: {  	s6 =	sshll.u32 s5, $0x7;
	s5 =	sshll.u32 s5, $0x8;
	s8 =	sshrl.u32 s4, $0x1  }
0xd: {  	s6 =	sadd.s32 s6, s2;
	s5 =	sand.u32 $0x300, s5;
	s4 =	ssub.s32 s4, s8  }
0xe: {  	s9 =	sor.u32 s10, s5;
	s26 =	sor.u32 s11, s5;
	s28 =	sor.u32 s12, s5  }
0xf: {  	s5 =	sor.u32 $0x80, s5;
	s17 =	smax.u32 s4, $0x1;
	s9 =	sshrl.u32 s9, $0x3  }
0x10: {  	s7 =	sshrl.u32 s26, $0x3;
	s8 =	sshrl.u32 s28, $0x3;
	s10 =	sor.u32 s10, s5  }
0x11: {  	s11 =	sor.u32 s11, s5;
	s5 =	sor.u32 s12, s5;
	s26 =	simm.s32 $0x2  }
0x12: {  	s25 =	sadd.s32 s0, s9;
	s14 =	sadd.s32 s9, s13;
	s7 =	sadd.s32 s1, s7  }
0x13: {  	s16 =	sshrl.u32 s10, $0x3;
	s31 =	sshrl.u32 s11, $0x3;
	[dreg:$0x5] =	wrdreg s25  }
.Ltmp0:
0x14: {  	s5 =	sshrl.u32 s5, $0x3;
	[dreg:$0x6] =	wrdreg s14;
	(pc) =	sbr.rel .LBB2_1-.Ltmp0, $4  }
0x15: {  	[dreg:$0x7] =	wrdreg s7;
	s7 =	sadd.s32 s2, s8;
	s8 =	sadd.s32 s9, s30  }
0x16: {  	s9 =	sadd.s32 s9, s15;
	s10 =	sadd.s32 s0, s16;
	s11 =	sadd.s32 s16, s13  }
0x17: {  	s12 =	sadd.s32 s1, s31;
	s13 =	sadd.s32 s2, s5;
	s14 =	sadd.s32 s16, s30  }
0x18: {  	v0 =	vimm.f32 $0.0e+00;
	s15 =	sadd.s32 s16, s15;
	s16 =	sadd.s32 $0x400, s6;
	s25 =	simm.s32 $0x1  }
.LBB2_15:
0x19: {  	[tilespmem:$0x1E710] =	vst v0  }
0x1a: {  	[tilespmem:$0x1E720] =	vst v0  }
0x1b: {  	[tilespmem:$0x1E730] =	vst v0  }
0x1c: {  	[tilespmem:$0x1E740] =	vst v0  }
0x1d: {  	[tilespmem:$0x1E750] =	vst v0  }
0x1e: {  	[tilespmem:$0x1E760] =	vst v0  }
0x1f: {  	[tilespmem:$0x1E770] =	vst v0  }
0x20: {  	[tilespmem:$0x1E780] =	vst v0  }
0x21: {  	[tilespmem:$0x1E790] =	vst v0  }
0x22: {  	[tilespmem:$0x1E7A0] =	vst v0  }
0x23: {  	[tilespmem:$0x1E7B0] =	vst v0  }
0x24: {  	[tilespmem:$0x1E7C0] =	vst v0  }
0x25: {  	[tilespmem:$0x1E7D0] =	vst v0  }
0x26: {  	[tilespmem:$0x1E7E0] =	vst v0  }
0x27: {  	[tilespmem:$0x1E7F0] =	vst v0  }
0x28: {  	[tilespmem:$0x1E800] =	vst v0  }
0x29: {  	[tilespmem:$0x1E810] =	vst v0  }
0x2a: {  	[tilespmem:$0x1E820] =	vst v0  }
0x2b: {  	[tilespmem:$0x1E830] =	vst v0  }
0x2c: {  	[tilespmem:$0x1E840] =	vst v0  }
0x2d: {  	[tilespmem:$0x1E850] =	vst v0  }
0x2e: {  	[tilespmem:$0x1E860] =	vst v0  }
0x2f: {  	[tilespmem:$0x1E870] =	vst v0  }
0x30: {  	[tilespmem:$0x1E880] =	vst v0  }
0x31: {  	[tilespmem:$0x1E890] =	vst v0  }
0x32: {  	[tilespmem:$0x1E8A0] =	vst v0  }
0x33: {  	[tilespmem:$0x1E8B0] =	vst v0  }
0x34: {  	[tilespmem:$0x1E8C0] =	vst v0  }
0x35: {  	[tilespmem:$0x1E8D0] =	vst v0  }
0x36: {  	[tilespmem:$0x1E8E0] =	vst v0  }
0x37: {  	[tilespmem:$0x1E8F0] =	vst v0  }
0x38: {  	[tilespmem:$0x1E900] =	vst v0  }
0x39: {  	[tilespmem:$0x1E910] =	vst v0  }
0x3a: {  	[tilespmem:$0x1E920] =	vst v0  }
0x3b: {  	[tilespmem:$0x1E930] =	vst v0  }
0x3c: {  	[tilespmem:$0x1E940] =	vst v0  }
0x3d: {  	[tilespmem:$0x1E950] =	vst v0  }
0x3e: {  	[tilespmem:$0x1E960] =	vst v0  }
0x3f: {  	[tilespmem:$0x1E970] =	vst v0  }
0x40: {  	[tilespmem:$0x1E980] =	vst v0  }
0x41: {  	[tilespmem:$0x1E990] =	vst v0  }
0x42: {  	[tilespmem:$0x1E9A0] =	vst v0  }
0x43: {  	[tilespmem:$0x1E9B0] =	vst v0  }
0x44: {  	[tilespmem:$0x1E9C0] =	vst v0  }
0x45: {  	[tilespmem:$0x1E9D0] =	vst v0  }
0x46: {  	[tilespmem:$0x1E9E0] =	vst v0  }
0x47: {  	[tilespmem:$0x1E9F0] =	vst v0  }
0x48: {  	[tilespmem:$0x1EA00] =	vst v0  }
0x49: {  	[tilespmem:$0x1EA10] =	vst v0  }
0x4a: {  	[tilespmem:$0x1EA20] =	vst v0  }
0x4b: {  	[tilespmem:$0x1EA30] =	vst v0  }
0x4c: {  	[tilespmem:$0x1EA40] =	vst v0  }
0x4d: {  	[tilespmem:$0x1EA50] =	vst v0  }
0x4e: {  	[tilespmem:$0x1EA60] =	vst v0  }
0x4f: {  	[tilespmem:$0x1EA70] =	vst v0  }
0x50: {  	[tilespmem:$0x1EA80] =	vst v0  }
0x51: {  	[tilespmem:$0x1EA90] =	vst v0  }
0x52: {  	v2 =	vadd.f32 v2, v3;
	v1 =	vadd.f32 v4, v1;
	[tilespmem:$0x1EAA0] =	vst v0  }
0x53: {  	[tilespmem:$0x1EAB0] =	vst v0  }
0x54: {  	[tilespmem:$0x1EAC0] =	vst v0;
	v1 =	vadd.f32 v1, v2  }
0x55: {  	[tilespmem:$0x1EAD0] =	vst v0  }
0x56: {  	[tilespmem:$0x1EAE0] =	vst v0;
	s29 =	sadd.s32 $0x1, s29;
	v1 =	vmul.f32 $9.536743160e-07, v1  }
0x57: {  	[tilespmem:$0x1EAF0] =	vst v0;
	p0 =	sne.s32 s29, s17  }
.Ltmp1:
0x58: {  	s0 =	simm.s32 $0x1E700;
	[tilespmem:$0x1E700] =	vst v1;
	(pc) =	sbr.rel @!p0 .LBB2_16-.Ltmp1, $4  }
0x59: {  	[hbm4b:s16+s3] =	stream.linear.scatter [tilespmem:s0], [sflag:$0x3], $0x400, $0x38;
	[tilespmem:$0x1EB00] =	vst v63  }
0x5a: {  	_ =	swait.ge [sflag:s23], $0x400  }
0x5b: {  	[sflag:s23] =	ssyncset.done $0x0  }
0x5c: {  	[sflag:s23] =	ssyncadd.s32 $0xFFFFFC00  }
.LBB2_1:
0x5d: {  	s0 =	rddreg [dreg:$0x1];
	s1 =	simm.s32 $0x18700  }
0x5e: {  	[tilespmem:s1], [sflag:$0x1] =	stream.linear.gather [hbm4b:s0+s3], $0x4000, $0x38;
	[tilespmem:$0x1EB00] =	vst v63  }
0x5f: {  	s28 =	rddreg [dreg:$0x5]  }
0x60: {  	[tilespmem:s21], [sflag:$0x2] =	stream.strided.gather [hbm4b:s28+s19], $0x1000, s20, s19, $0x38;
	[tilespmem:$0x1EB00] =	vst v63  }
0x61: {  	s30 =	rddreg [dreg:$0x6]  }
0x62: {  	[tilespmem:s22], [sflag:$0x2] =	stream.strided.gather [hbm4b:s30+s19], $0x1000, s20, s19, $0x38;
	[tilespmem:$0x1EB00] =	vst v63  }
0x63: {  	s31 =	rddreg [dreg:$0x7]  }
0x64: {  	[tilespmem:s3], [sflag:$0x3] =	stream.strided.gather [hbm4b:s31+s19], $0x18680, s20, s19, $0x38;
	[tilespmem:$0x1EB00] =	vst v63  }
0x65: {  	_ =	swait.ge [sflag:s23], $0x18680  }
0x66: {  	[sflag:s23] =	ssyncset.done $0x0  }
0x67: {  	[sflag:s23] =	ssyncadd.s32 $0xFFFE7980  }
0x68: {  	[tilespmem:s24], [sflag:$0x3] =	stream.linear.gather [hbm4b:s7+s3], $0x80, $0x38;
	[tilespmem:$0x1EB00] =	vst v63  }
0x69: {  	_ =	swait.ge [sflag:s23], $0x80  }
0x6a: {  	[sflag:s23] =	ssyncset.done $0x0  }
0x6b: {  	[sflag:s23] =	ssyncadd.s32 $0xFFFFFF80  }
0x6c: {  	_ =	swait.ge [sflag:s25], $0x4000  }
0x6d: {  	v4 =	vimm.f32 $0.0e+00;
	[sflag:s25] =	ssyncset.done $0x0  }
0x6e: {  	p0 =	por $0x1, $0x1;
	v1 =	vimm.f32 $0.0e+00;
	v2 =	vimm.f32 $0.0e+00;
	v3 =	vimm.f32 $0.0e+00;
	s0 =	simm.s32 $0x0;
	[sflag:s25] =	ssyncadd.s32 $0xFFFFC000  }
.LBB2_2:
0x6f: {  	_ =	swait.ge [sflag:s26], $0x1000  }
0x70: {  	s30 =	sshra.s32 s0, $0x2;
	s4 =	simm.s32 $0x0;
	s2 =	simm.s32 $0x30  }
0x71: {  	s31 =	sadd.s32 $0x18700, s30;
	s1 =	sand.u32 $0xF80, s4;
	[sflag:s26] =	ssyncset.done $0x0  }
0x72: {  	s2 =	sand.u32 $0x70, s2;
	s0 =	sand.u32 $0x40, s4;
	s1 =	sadd.s32 s1, s31  }
0x73: {  	s4 =	simm.s32 $0x10;
	[sflag:s26] =	ssyncadd.s32 $0xFFFFF000;
	s2 =	sadd.s32 s2, s1  }
0x74: {  	s6 =	simm.s32 $0x20;
	s5 =	sand.u32 $0x50, s4;
	s0 =	sadd.s32 s0, s1;
	v5 =	vld [tilespmem:s2+$0x0]  }
0x75: {  	s18 =	simm.s32 $0x40;
	s2 =	sadd.s32 s5, s1;
	v6 =	vld [tilespmem:s0+$0x0];
	s0 =	sand.u32 $0x60, s6  }
0x76: {  	s5 =	sand.u32 $0xF80, s18;
	s6 =	simm.s32 $0x70;
	v7 =	vld [tilespmem:s2+$0x0];
	s0 =	sadd.s32 s0, s1  }
0x77: {  	s2 =	sadd.s32 s5, s31;
	s4 =	sand.u32 $0x70, s6;
	v8 =	vld [tilespmem:s0+$0x0];
	s0 =	simm.s32 $0x1C720  }
0x78: {  	s1 =	sand.u32 $0x40, s18;
	s4 =	sadd.s32 s4, s2;
	v10 =	vld [tilespmem:s0+$0x10]  }
0x79: {  	s1 =	sadd.s32 s1, s2;
	v12 =	vld [tilespmem:s4+$0x0]  }
0x7a: {  	s5 =	simm.s32 $0x50;
	v15 =	vld [tilespmem:s1+$0x0]  }
0x7b: {  	s6 =	simm.s32 $0x60;
	s5 =	sand.u32 $0x50, s5;
	v11 =	vld [tilespmem:s0+$0xFFFFFFE0]  }
0x7c: {  	s18 =	sand.u32 $0x60, s6;
	s5 =	sadd.s32 s5, s2;
	v9 =	vld.idx.msk [tilespmem:v5+s3+$0x0], $0xffff  }
0x7d: {  	s4 =	sadd.s32 s18, s2;
	v13 =	vld [tilespmem:s5+$0x0]  }
0x7e: {  	v14 =	vld [tilespmem:s4+$0x0]  }
0x7f: {  	v5 =	vld.idx.msk [tilespmem:v6+s3+$0x0], $0xffff  }
0x80: {  	v6 =	vld.idx.msk [tilespmem:v7+s3+$0x0], $0xffff  }
0x81: {  	v7 =	vld.idx.msk [tilespmem:v8+s3+$0x0], $0xffff;
	v9 =	vsub.f32 v10, v9  }
0x82: {  	s6 =	simm.s32 $0x90;
	v8 =	vld [tilespmem:s0+$0xFFFFFFF0]  }
0x83: {  	s2 =	simm.s32 $0x80;
	s18 =	simm.s32 $0xA0;
	s28 =	sand.u32 $0x50, s6;
	v10 =	vld [tilespmem:s0+$0x0];
	v16 =	vmul.f32 v9, v9  }
0x84: {  	s1 =	sand.u32 $0x40, s2;
	s18 =	sand.u32 $0x60, s18;
	s0 =	simm.s32 $0x1C760;
	v9 =	vld.idx.msk [tilespmem:v12+s3+$0x0], $0xffff  }
0x85: {  	s4 =	sand.u32 $0xF80, s2;
	s5 =	simm.s32 $0xB0;
	s2 =	simm.s32 $0xC0;
	v12 =	vld [tilespmem:s0+$0x10];
	v4 =	vadd.f32 v16, v4  }
.LBB2_3:
0x86: {  	p1 =	sne.s32 s2, $0xFC0;
	s4 =	sadd.s32 s4, s31;
	s5 =	sand.u32 $0x70, s5;
	v11 =	vsub.f32 v11, v5;
	v5 =	vld.idx.msk [tilespmem:v15+s3+$0x0], $0xffff  }
0x87: {  	s1 =	sadd.s32 s1, s4;
	s6 =	sadd.s32 s28, s4;
	s5 =	sadd.s32 s5, s4;
	v8 =	vsub.f32 v8, v6;
	v6 =	vld.idx.msk [tilespmem:v13+s3+$0x0], $0xffff  }
0x88: {  	s4 =	sadd.s32 s18, s4;
	v16 =	vld [tilespmem:s5+$0x0];
	v11 =	vmul.f32 v11, v11;
	v7 =	vsub.f32 v10, v7  }
0x89: {  	v15 =	vld [tilespmem:s1+$0x0];
	v8 =	vmul.f32 v8, v8  }
0x8a: {  	v13 =	vld [tilespmem:s6+$0x0];
	v9 =	vsub.f32 v12, v9;
	v3 =	vadd.f32 v11, v3;
	v10 =	vmul.f32 v7, v7  }
0x8b: {  	v12 =	vld [tilespmem:s4+$0x0];
	v2 =	vadd.f32 v8, v2  }
0x8c: {  	v7 =	vld.idx.msk [tilespmem:v14+s3+$0x0], $0xffff;
	v9 =	vmul.f32 v9, v9;
	v1 =	vadd.f32 v10, v1  }
.Ltmp2:
0x8d: {  	v11 =	vld [tilespmem:s0+$0xFFFFFFE0];
	(pc) =	sbr.rel @p1 .LBB2_3-.Ltmp2, $4  }
0x8e: {  	v8 =	vld [tilespmem:s0+$0xFFFFFFF0];
	v4 =	vadd.f32 v9, v4  }
0x8f: {  	s5 =	sadd.s32 $0x20, s2;
	s1 =	sand.u32 $0x40, s2;
	s4 =	sadd.s32 $0x10, s2;
	v10 =	vld [tilespmem:s0+$0x0]  }
0x90: {  	s18 =	sand.u32 $0x60, s5;
	s28 =	sand.u32 $0x50, s4;
	s0 =	sadd.s32 $0x40, s0;
	v9 =	vld.idx.msk [tilespmem:v16+s3+$0x0], $0xffff;
	v14 =	vmov v12  }
0x91: {  	s5 =	sadd.s32 $0x30, s2;
	s4 =	sand.u32 $0xF80, s2;
	s2 =	sadd.s32 $0x40, s2;
	v12 =	vld [tilespmem:s0+$0x10]  }
0x92: {  	_ =	sdelay $0x3  }
0x93: {  	v15 =	vld.idx.msk [tilespmem:v15+s3+$0x0], $0xffff  }
0x94: {  	v13 =	vld.idx.msk [tilespmem:v13+s3+$0x0], $0xffff  }
0x95: {  	v14 =	vld.idx.msk [tilespmem:v14+s3+$0x0], $0xffff  }
0x96: {  	v20 =	vld [tilespmem:s0+$0xFFFFFFE0]  }
0x97: {  	s2 =	sadd.s32 s4, s31;
	s6 =	sand.u32 $0x70, s5;
	v21 =	vld [tilespmem:s0+$0xFFFFFFF0]  }
0x98: {  	v22 =	vld [tilespmem:s0+$0x0];
	s4 =	sadd.s32 s6, s2  }
0x99: {  	s1 =	sadd.s32 s1, s2;
	v16 =	vld [tilespmem:s4+$0x0]  }
0x9a: {  	s5 =	sadd.s32 s28, s2;
	v17 =	vld [tilespmem:s1+$0x0]  }
0x9b: {  	s6 =	sadd.s32 s18, s2;
	v18 =	vld [tilespmem:s5+$0x0]  }
0x9c: {  	s18 =	sadd.s32 $0x40, s0;
	v19 =	vld [tilespmem:s6+$0x0]  }
0x9d: {  	v23 =	vld [tilespmem:s18+$0x10]  }
0x9e: {  	v24 =	vld [tilespmem:s18+$0xFFFFFFE0]  }
0x9f: {  	v25 =	vld [tilespmem:s18+$0xFFFFFFF0]  }
0xa0: {  	v26 =	vld [tilespmem:s18+$0x0]  }
0xa1: {  	v16 =	vld.idx.msk [tilespmem:v16+s3+$0x0], $0xffff  }
0xa2: {  	s30 =	sadd.s32 $0x19700, s30;
	s0 =	simm.s32 @p0 $0x80;
	s2 =	simm.s32 @p0 $0x1C700;
	v17 =	vld.idx.msk [tilespmem:v17+s3+$0x0], $0xffff  }
0xa3: {  	s28 =	simm.s32 $0x0;
	s1 =	simm.s32 @p0 $0x400;
	s4 =	simm.s32 $0x30;
	v18 =	vld.idx.msk [tilespmem:v18+s3+$0x0], $0xffff  }
0xa4: {  	v19 =	vld.idx.msk [tilespmem:v19+s3+$0x0], $0xffff;
	[tilespmem:s2], [sflag:$0x2] =	stream.strided.gather @p0 [hbm4b:s8+s0], $0x1000, s1, s0, $0x38  }
0xa5: {  	s5 =	simm.s32 $0x10;
	s2 =	sand.u32 $0xF80, s28;
	_ =	swait.ge [sflag:s26], $0x1000  }
0xa6: {  	s1 =	sadd.s32 s2, s30;
	s2 =	sand.u32 $0x70, s4;
	[sflag:s26] =	ssyncset.done $0x0  }
0xa7: {  	s0 =	sand.u32 $0x40, s28;
	s2 =	sadd.s32 s2, s1;
	[sflag:s26] =	ssyncadd.s32 $0xFFFFF000  }
0xa8: {  	s18 =	simm.s32 $0x20;
	s6 =	sand.u32 $0x50, s5;
	s0 =	sadd.s32 s0, s1;
	v27 =	vld [tilespmem:s2+$0x0]  }
0xa9: {  	v6 =	vsub.f32 v8, v6;
	s28 =	simm.s32 $0x40;
	s2 =	sadd.s32 s6, s1;
	v28 =	vld [tilespmem:s0+$0x0];
	s0 =	sand.u32 $0x60, s18  }
0xaa: {  	v7 =	vsub.f32 v10, v7;
	v8 =	vsub.f32 v12, v9;
	s5 =	sand.u32 $0xF80, s28;
	s6 =	simm.s32 $0x70;
	v29 =	vld [tilespmem:s2+$0x0];
	s0 =	sadd.s32 s0, s1  }
0xab: {  	v5 =	vsub.f32 v11, v5;
	v6 =	vmul.f32 v6, v6;
	v13 =	vsub.f32 v21, v13;
	s2 =	sadd.s32 s5, s30;
	s4 =	sand.u32 $0x70, s6;
	v11 =	vld [tilespmem:s0+$0x0];
	s0 =	simm.s32 $0x1D720  }
0xac: {  	v7 =	vmul.f32 v7, v7;
	v9 =	vsub.f32 v20, v15;
	v8 =	vmul.f32 v8, v8;
	s18 =	simm.s32 $0x50;
	s1 =	sand.u32 $0x40, s28;
	s4 =	sadd.s32 s4, s2;
	v12 =	vld [tilespmem:s0+$0x10]  }
0xad: {  	v2 =	vadd.f32 v6, v2;
	v14 =	vsub.f32 v22, v14;
	v13 =	vmul.f32 v13, v13;
	s5 =	sand.u32 $0x50, s18;
	s1 =	sadd.s32 s1, s2;
	v6 =	vld [tilespmem:s4+$0x0]  }
0xae: {  	v1 =	vadd.f32 v7, v1;
	v7 =	vmul.f32 v9, v9;
	v4 =	vadd.f32 v8, v4;
	s5 =	sadd.s32 s5, s2;
	v9 =	vld [tilespmem:s1+$0x0]  }
0xaf: {  	v14 =	vmul.f32 v14, v14;
	v61 =	vadd.f32 v13, v2;
	v13 =	vsub.f32 v25, v18;
	v8 =	vld [tilespmem:s5+$0x0]  }
0xb0: {  	v5 =	vmul.f32 v5, v5;
	v27 =	vld.idx.msk [tilespmem:v27+s3+$0x0], $0xffff  }
0xb1: {  	v63 =	vadd.f32 v14, v1;
	v14 =	vmul.f32 v13, v13;
	v13 =	vld [tilespmem:s0+$0x0]  }
0xb2: {  	v10 =	vadd.f32 v5, v3;
	v3 =	vld.idx.msk [tilespmem:v28+s3+$0x0], $0xffff  }
0xb3: {  	v15 =	vsub.f32 v23, v16;
	v5 =	vld.idx.msk [tilespmem:v29+s3+$0x0], $0xffff  }
0xb4: {  	s6 =	simm.s32 $0x60;
	v16 =	vadd.f32 v7, v10;
	v2 =	vsub.f32 v24, v17;
	v7 =	vld.idx.msk [tilespmem:v11+s3+$0x0], $0xffff  }
0xb5: {  	v17 =	vsub.f32 v26, v19;
	s28 =	sand.u32 $0x60, s6;
	v15 =	vmul.f32 v15, v15;
	v62 =	vsub.f32 v12, v27;
	v12 =	vld [tilespmem:s0+$0xFFFFFFE0]  }
0xb6: {  	s18 =	simm.s32 $0x90;
	s6 =	simm.s32 $0x80;
	s4 =	sadd.s32 s28, s2;
	v1 =	vmul.f32 v2, v2;
	v11 =	vld [tilespmem:s0+$0xFFFFFFF0]  }
0xb7: {  	s18 =	sand.u32 $0x50, s18;
	s1 =	sand.u32 $0x40, s6;
	v10 =	vld [tilespmem:s4+$0x0];
	v15 =	vadd.f32 v15, v4;
	v4 =	vmul.f32 v17, v17;
	v17 =	vmul.f32 v62, v62  }
0xb8: {  	s28 =	simm.s32 $0xA0;
	s5 =	simm.s32 $0xB0;
	v2 =	vadd.f32 v1, v16;
	v1 =	vadd.f32 v14, v61;
	v14 =	vld.idx.msk [tilespmem:v6+s3+$0x0], $0xffff;
	s0 =	simm.s32 $0x1D760  }
0xb9: {  	s2 =	simm.s32 $0xC0;
	s31 =	sand.u32 $0x60, s28;
	s4 =	sand.u32 $0xF80, s6;
	v4 =	vadd.f32 v4, v63;
	v6 =	vadd.f32 v17, v15;
	v15 =	vld [tilespmem:s0+$0x10]  }
.LBB2_5:
0xba: {  	p1 =	sne.s32 s2, $0xFC0;
	s4 =	sadd.s32 s4, s30;
	s5 =	sand.u32 $0x70, s5;
	v12 =	vsub.f32 v12, v3;
	v3 =	vld.idx.msk [tilespmem:v9+s3+$0x0], $0xffff  }
0xbb: {  	s1 =	sadd.s32 s1, s4;
	s6 =	sadd.s32 s18, s4;
	s5 =	sadd.s32 s5, s4;
	v11 =	vsub.f32 v11, v5;
	v5 =	vld.idx.msk [tilespmem:v8+s3+$0x0], $0xffff  }
0xbc: {  	s4 =	sadd.s32 s31, s4;
	v16 =	vld [tilespmem:s5+$0x0];
	v12 =	vmul.f32 v12, v12;
	v7 =	vsub.f32 v13, v7  }
0xbd: {  	v9 =	vld [tilespmem:s1+$0x0];
	v11 =	vmul.f32 v11, v11  }
0xbe: {  	v8 =	vld [tilespmem:s6+$0x0];
	v13 =	vsub.f32 v15, v14;
	v2 =	vadd.f32 v12, v2;
	v12 =	vmul.f32 v7, v7  }
0xbf: {  	v15 =	vld [tilespmem:s4+$0x0];
	v1 =	vadd.f32 v11, v1  }
0xc0: {  	v7 =	vld.idx.msk [tilespmem:v10+s3+$0x0], $0xffff;
	v10 =	vmul.f32 v13, v13;
	v4 =	vadd.f32 v12, v4  }
.Ltmp3:
0xc1: {  	v12 =	vld [tilespmem:s0+$0xFFFFFFE0];
	(pc) =	sbr.rel @p1 .LBB2_5-.Ltmp3, $4  }
0xc2: {  	v11 =	vld [tilespmem:s0+$0xFFFFFFF0];
	v6 =	vadd.f32 v10, v6  }
0xc3: {  	s5 =	sadd.s32 $0x20, s2;
	s1 =	sand.u32 $0x40, s2;
	s4 =	sadd.s32 $0x10, s2;
	v13 =	vld [tilespmem:s0+$0x0]  }
0xc4: {  	s31 =	sand.u32 $0x60, s5;
	s18 =	sand.u32 $0x50, s4;
	s0 =	sadd.s32 $0x40, s0;
	v14 =	vld.idx.msk [tilespmem:v16+s3+$0x0], $0xffff;
	v10 =	vmov v15  }
0xc5: {  	s5 =	sadd.s32 $0x30, s2;
	s4 =	sand.u32 $0xF80, s2;
	s2 =	sadd.s32 $0x40, s2;
	v15 =	vld [tilespmem:s0+$0x10]  }
0xc6: {  	_ =	sdelay $0x3  }
0xc7: {  	v9 =	vld.idx.msk [tilespmem:v9+s3+$0x0], $0xffff  }
0xc8: {  	v8 =	vld.idx.msk [tilespmem:v8+s3+$0x0], $0xffff  }
0xc9: {  	v10 =	vld.idx.msk [tilespmem:v10+s3+$0x0], $0xffff  }
0xca: {  	v20 =	vld [tilespmem:s0+$0xFFFFFFE0]  }
0xcb: {  	s2 =	sadd.s32 s4, s30;
	s6 =	sand.u32 $0x70, s5;
	v21 =	vld [tilespmem:s0+$0xFFFFFFF0]  }
0xcc: {  	v22 =	vld [tilespmem:s0+$0x0];
	s4 =	sadd.s32 s6, s2  }
0xcd: {  	s1 =	sadd.s32 s1, s2;
	v16 =	vld [tilespmem:s4+$0x0]  }
0xce: {  	s28 =	sadd.s32 s18, s2;
	v17 =	vld [tilespmem:s1+$0x0]  }
0xcf: {  	s30 =	sadd.s32 s31, s2;
	v18 =	vld [tilespmem:s28+$0x0]  }
0xd0: {  	s31 =	sadd.s32 $0x40, s0;
	v19 =	vld [tilespmem:s30+$0x0]  }
0xd1: {  	v23 =	vld [tilespmem:s31+$0x10]  }
0xd2: {  	v56 =	vld [tilespmem:s31+$0xFFFFFFE0]  }
0xd3: {  	v3 =	vsub.f32 v12, v3;
	v57 =	vld [tilespmem:s31+$0xFFFFFFF0]  }
0xd4: {  	v5 =	vsub.f32 v11, v5;
	v58 =	vld [tilespmem:s31+$0x0]  }
0xd5: {  	v3 =	vmul.f32 v3, v3;
	v55 =	vsub.f32 v15, v14;
	v16 =	vld.idx.msk [tilespmem:v16+s3+$0x0], $0xffff  }
0xd6: {  	v7 =	vsub.f32 v13, v7;
	v5 =	vmul.f32 v5, v5;
	v17 =	vld.idx.msk [tilespmem:v17+s3+$0x0], $0xffff  }
0xd7: {  	v2 =	vadd.f32 v3, v2;
	v9 =	vsub.f32 v20, v9;
	v3 =	vmul.f32 v55, v55;
	v53 =	vld.idx.msk [tilespmem:v18+s3+$0x0], $0xffff  }
0xd8: {  	v7 =	vmul.f32 v7, v7;
	v54 =	vld.idx.msk [tilespmem:v19+s3+$0x0], $0xffff  }
0xd9: {  	v1 =	vadd.f32 v5, v1;
	v3 =	vadd.f32 v3, v6;
	v6 =	vmul.f32 v9, v9  }
0xda: {  	v5 =	vsub.f32 v21, v8;
	v4 =	vadd.f32 v7, v4  }
0xdb: {  	v7 =	vsub.f32 v22, v10;
	v2 =	vadd.f32 v6, v2  }
0xdc: {  	v5 =	vmul.f32 v5, v5;
	v59 =	vsub.f32 v23, v16;
	v6 =	vsub.f32 v56, v17  }
.Ltmp4:
0xdd: {  	v7 =	vmul.f32 v7, v7;
	v60 =	vsub.f32 v57, v53;
	v61 =	vsub.f32 v58, v54;
	(pc) =	sbr.rel @!p0 .LBB2_8-.Ltmp4, $4  }
0xde: {  	v1 =	vadd.f32 v5, v1;
	v5 =	vmul.f32 v59, v59;
	v6 =	vmul.f32 v6, v6  }
0xdf: {  	v7 =	vadd.f32 v7, v4;
	v62 =	vmul.f32 v60, v60;
	v63 =	vmul.f32 v61, v61  }
0xe0: {  	v4 =	vadd.f32 v5, v3;
	v3 =	vadd.f32 v6, v2  }
0xe1: {  	v2 =	vadd.f32 v62, v1;
	v1 =	vadd.f32 v63, v7  }
.Ltmp5:
0xe2: {  	(pc) =	sbr.rel .LBB2_2-.Ltmp5, $3  }
0xe3: {  	_ =	sdelay $0x1  }
0xe4: {  	[tilespmem:s22], [sflag:$0x2] =	stream.strided.gather [hbm4b:s9+s19], $0x1000, s20, s19, $0x38;
	[tilespmem:$0x1EB00] =	vst v63  }
0xe5: {  	s0 =	simm.s32 $0x8000;
	p0 =	por $0x0, $0x0  }
.LBB2_8:
0xe6: {  	[tilespmem:s21], [sflag:$0x2] =	stream.strided.gather [hbm4b:s10+s19], $0x1000, s20, s19, $0x38;
	[tilespmem:$0x1EB00] =	vst v63  }
0xe7: {  	_ = 	snop  }
0xe8: {  	[tilespmem:s22], [sflag:$0x2] =	stream.strided.gather [hbm4b:s11+s19], $0x1000, s20, s19, $0x38;
	[tilespmem:$0x1EB00] =	vst v63  }
0xe9: {  	s30 =	simm.s32 $0x0  }
0xea: {  	[tilespmem:s30], [sflag:$0x3] =	stream.strided.gather [hbm4b:s12+s19], $0x18680, s20, s19, $0x38;
	[tilespmem:$0x1EB00] =	vst v63  }
0xeb: {  	_ =	swait.ge [sflag:s23], $0x18680  }
0xec: {  	[sflag:s23] =	ssyncset.done $0x0  }
0xed: {  	[sflag:s23] =	ssyncadd.s32 $0xFFFE7980  }
0xee: {  	[tilespmem:s24], [sflag:$0x3] =	stream.linear.gather [hbm4b:s13+s30], $0x80, $0x38;
	[tilespmem:$0x1EB00] =	vst v63  }
0xef: {  	v2 =	vadd.f32 v2, v3;
	v1 =	vadd.f32 v4, v1;
	_ =	swait.ge [sflag:s23], $0x80  }
0xf0: {  	v4 =	vimm.f32 $0.0e+00;
	[sflag:s23] =	ssyncset.done $0x0  }
0xf1: {  	p0 =	por $0x1, $0x1;
	s0 =	simm.s32 $0x0;
	v3 =	vadd.f32 v1, v2;
	v1 =	vimm.f32 $0.0e+00;
	v2 =	vimm.f32 $0.0e+00;
	[sflag:s23] =	ssyncadd.s32 $0xFFFFFF80  }
.LBB2_9:
0xf2: {  	_ =	swait.ge [sflag:s26], $0x1000;
	s31 =	sshra.s32 s0, $0x2;
	s1 =	sand.u32 $0xF80, s30  }
0xf3: {  	s2 =	simm.s32 $0x30;
	s5 =	simm.s32 $0x10;
	s0 =	sadd.s32 $0x18700, s31  }
0xf4: {  	[sflag:s26] =	ssyncset.done $0x0;
	s2 =	sand.u32 $0x70, s2;
	s1 =	sadd.s32 s1, s0  }
0xf5: {  	s5 =	sand.u32 $0x50, s5;
	[sflag:s26] =	ssyncadd.s32 $0xFFFFF000;
	s2 =	sadd.s32 s2, s1  }
0xf6: {  	s4 =	sand.u32 $0x40, s30;
	s6 =	simm.s32 $0x20;
	v5 =	vld [tilespmem:s2+$0x0];
	s2 =	sadd.s32 s5, s1  }
0xf7: {  	s18 =	simm.s32 $0x40;
	s4 =	sadd.s32 s4, s1;
	v7 =	vld [tilespmem:s2+$0x0];
	s2 =	sand.u32 $0x60, s6  }
0xf8: {  	v6 =	vld [tilespmem:s4+$0x0];
	s5 =	sand.u32 $0xF80, s18;
	s6 =	simm.s32 $0x70;
	s1 =	sadd.s32 s2, s1  }
0xf9: {  	s4 =	sadd.s32 s5, s0;
	s5 =	sand.u32 $0x70, s6;
	v8 =	vld [tilespmem:s1+$0x0];
	s1 =	simm.s32 $0x1C720  }
0xfa: {  	s2 =	sand.u32 $0x40, s18;
	s5 =	sadd.s32 s5, s4;
	v10 =	vld [tilespmem:s1+$0x10]  }
0xfb: {  	s2 =	sadd.s32 s2, s4;
	v12 =	vld [tilespmem:s5+$0x0]  }
0xfc: {  	s6 =	simm.s32 $0x50;
	v15 =	vld [tilespmem:s2+$0x0]  }
0xfd: {  	s18 =	simm.s32 $0x60;
	s6 =	sand.u32 $0x50, s6;
	v11 =	vld [tilespmem:s1+$0xFFFFFFE0]  }
0xfe: {  	s18 =	sand.u32 $0x60, s18;
	s6 =	sadd.s32 s6, s4;
	v9 =	vld.idx.msk [tilespmem:v5+s3+$0x0], $0xffff  }
0xff: {  	s18 =	sadd.s32 s18, s4;
	v13 =	vld [tilespmem:s6+$0x0]  }
0x100: {  	v14 =	vld [tilespmem:s18+$0x0]  }
0x101: {  	v5 =	vld.idx.msk [tilespmem:v6+s3+$0x0], $0xffff  }
0x102: {  	v6 =	vld.idx.msk [tilespmem:v7+s3+$0x0], $0xffff  }
0x103: {  	v7 =	vld.idx.msk [tilespmem:v8+s3+$0x0], $0xffff;
	v9 =	vsub.f32 v10, v9  }
0x104: {  	s5 =	simm.s32 $0x80;
	v8 =	vld [tilespmem:s1+$0xFFFFFFF0]  }
0x105: {  	s4 =	simm.s32 $0x90;
	s2 =	simm.s32 $0x1C760;
	s18 =	sand.u32 $0x40, s5;
	v10 =	vld [tilespmem:s1+$0x0];
	v16 =	vmul.f32 v9, v9  }
0x106: {  	s6 =	simm.s32 $0xA0;
	s4 =	sand.u32 $0x50, s4;
	s5 =	sand.u32 $0xF80, s5;
	v9 =	vld.idx.msk [tilespmem:v12+s3+$0x0], $0xffff  }
0x107: {  	s28 =	sand.u32 $0x60, s6;
	s6 =	simm.s32 $0xB0;
	s1 =	simm.s32 $0xC0;
	v12 =	vld [tilespmem:s2+$0x10];
	v4 =	vadd.f32 v16, v4  }
.LBB2_10:
0x108: {  	p1 =	sne.s32 s1, $0xFC0;
	s5 =	sadd.s32 s5, s0;
	s6 =	sand.u32 $0x70, s6;
	v11 =	vsub.f32 v11, v5;
	v5 =	vld.idx.msk [tilespmem:v15+s3+$0x0], $0xffff  }
0x109: {  	s18 =	sadd.s32 s18, s5;
	s4 =	sadd.s32 s4, s5;
	s6 =	sadd.s32 s6, s5;
	v8 =	vsub.f32 v8, v6;
	v6 =	vld.idx.msk [tilespmem:v13+s3+$0x0], $0xffff  }
0x10a: {  	s5 =	sadd.s32 s28, s5;
	v16 =	vld [tilespmem:s6+$0x0];
	v11 =	vmul.f32 v11, v11;
	v7 =	vsub.f32 v10, v7  }
0x10b: {  	v15 =	vld [tilespmem:s18+$0x0];
	v8 =	vmul.f32 v8, v8  }
0x10c: {  	v13 =	vld [tilespmem:s4+$0x0];
	v9 =	vsub.f32 v12, v9;
	v3 =	vadd.f32 v11, v3;
	v10 =	vmul.f32 v7, v7  }
0x10d: {  	v12 =	vld [tilespmem:s5+$0x0];
	v2 =	vadd.f32 v8, v2  }
0x10e: {  	v7 =	vld.idx.msk [tilespmem:v14+s3+$0x0], $0xffff;
	v9 =	vmul.f32 v9, v9;
	v1 =	vadd.f32 v10, v1  }
.Ltmp6:
0x10f: {  	v11 =	vld [tilespmem:s2+$0xFFFFFFE0];
	(pc) =	sbr.rel @p1 .LBB2_10-.Ltmp6, $4  }
0x110: {  	v8 =	vld [tilespmem:s2+$0xFFFFFFF0];
	v4 =	vadd.f32 v9, v4  }
0x111: {  	s18 =	sand.u32 $0x40, s1;
	s4 =	sadd.s32 $0x10, s1;
	s5 =	sadd.s32 $0x20, s1;
	v10 =	vld [tilespmem:s2+$0x0]  }
0x112: {  	s4 =	sand.u32 $0x50, s4;
	s28 =	sand.u32 $0x60, s5;
	s2 =	sadd.s32 $0x40, s2;
	v9 =	vld.idx.msk [tilespmem:v16+s3+$0x0], $0xffff;
	v14 =	vmov v12  }
0x113: {  	s6 =	sadd.s32 $0x30, s1;
	s5 =	sand.u32 $0xF80, s1;
	s1 =	sadd.s32 $0x40, s1;
	v12 =	vld [tilespmem:s2+$0x10]  }
0x114: {  	_ =	sdelay $0x3  }
0x115: {  	v15 =	vld.idx.msk [tilespmem:v15+s3+$0x0], $0xffff  }
0x116: {  	v13 =	vld.idx.msk [tilespmem:v13+s3+$0x0], $0xffff  }
0x117: {  	v14 =	vld.idx.msk [tilespmem:v14+s3+$0x0], $0xffff  }
0x118: {  	v20 =	vld [tilespmem:s2+$0xFFFFFFE0]  }
0x119: {  	s0 =	sadd.s32 s5, s0;
	s1 =	sand.u32 $0x70, s6;
	v21 =	vld [tilespmem:s2+$0xFFFFFFF0]  }
0x11a: {  	v22 =	vld [tilespmem:s2+$0x0];
	s1 =	sadd.s32 s1, s0  }
0x11b: {  	s5 =	sadd.s32 s18, s0;
	v16 =	vld [tilespmem:s1+$0x0]  }
0x11c: {  	s18 =	sadd.s32 s4, s0;
	v17 =	vld [tilespmem:s5+$0x0]  }
0x11d: {  	s0 =	sadd.s32 s28, s0;
	v18 =	vld [tilespmem:s18+$0x0]  }
0x11e: {  	s2 =	sadd.s32 $0x40, s2;
	v19 =	vld [tilespmem:s0+$0x0]  }
0x11f: {  	v23 =	vld [tilespmem:s2+$0x10]  }
0x120: {  	v24 =	vld [tilespmem:s2+$0xFFFFFFE0]  }
0x121: {  	v25 =	vld [tilespmem:s2+$0xFFFFFFF0]  }
0x122: {  	v26 =	vld [tilespmem:s2+$0x0]  }
0x123: {  	v16 =	vld.idx.msk [tilespmem:v16+s3+$0x0], $0xffff  }
0x124: {  	s31 =	sadd.s32 $0x19700, s31;
	s6 =	simm.s32 $0x30;
	s2 =	simm.s32 @p0 $0x1C700;
	v17 =	vld.idx.msk [tilespmem:v17+s3+$0x0], $0xffff  }
0x125: {  	s4 =	simm.s32 $0x0;
	s0 =	simm.s32 @p0 $0x80;
	s1 =	simm.s32 @p0 $0x400;
	v18 =	vld.idx.msk [tilespmem:v18+s3+$0x0], $0xffff  }
0x126: {  	v19 =	vld.idx.msk [tilespmem:v19+s3+$0x0], $0xffff;
	[tilespmem:s2], [sflag:$0x2] =	stream.strided.gather @p0 [hbm4b:s14+s0], $0x1000, s1, s0, $0x38  }
0x127: {  	s5 =	sand.u32 $0xF80, s4;
	s18 =	simm.s32 $0x10;
	_ =	swait.ge [sflag:s26], $0x1000  }
0x128: {  	s1 =	sadd.s32 s5, s31;
	s2 =	sand.u32 $0x70, s6;
	[sflag:s26] =	ssyncset.done $0x0  }
0x129: {  	s0 =	sand.u32 $0x40, s4;
	s2 =	sadd.s32 s2, s1;
	[sflag:s26] =	ssyncadd.s32 $0xFFFFF000  }
0x12a: {  	s5 =	sand.u32 $0x50, s18;
	s6 =	simm.s32 $0x20;
	s0 =	sadd.s32 s0, s1;
	v27 =	vld [tilespmem:s2+$0x0]  }
0x12b: {  	v6 =	vsub.f32 v8, v6;
	s18 =	simm.s32 $0x40;
	s2 =	sadd.s32 s5, s1;
	v28 =	vld [tilespmem:s0+$0x0];
	s0 =	sand.u32 $0x60, s6  }
0x12c: {  	v7 =	vsub.f32 v10, v7;
	v8 =	vsub.f32 v12, v9;
	s4 =	sand.u32 $0xF80, s18;
	s5 =	simm.s32 $0x70;
	v29 =	vld [tilespmem:s2+$0x0];
	s0 =	sadd.s32 s0, s1  }
0x12d: {  	v5 =	vsub.f32 v11, v5;
	v6 =	vmul.f32 v6, v6;
	v13 =	vsub.f32 v21, v13;
	s2 =	sadd.s32 s4, s31;
	s4 =	sand.u32 $0x70, s5;
	v11 =	vld [tilespmem:s0+$0x0];
	s0 =	simm.s32 $0x1D720  }
0x12e: {  	v7 =	vmul.f32 v7, v7;
	v9 =	vsub.f32 v20, v15;
	v8 =	vmul.f32 v8, v8;
	s6 =	simm.s32 $0x50;
	s1 =	sand.u32 $0x40, s18;
	s4 =	sadd.s32 s4, s2;
	v12 =	vld [tilespmem:s0+$0x10]  }
0x12f: {  	v2 =	vadd.f32 v6, v2;
	v14 =	vsub.f32 v22, v14;
	v13 =	vmul.f32 v13, v13;
	s5 =	sand.u32 $0x50, s6;
	s1 =	sadd.s32 s1, s2;
	v6 =	vld [tilespmem:s4+$0x0]  }
0x130: {  	v1 =	vadd.f32 v7, v1;
	v7 =	vmul.f32 v9, v9;
	v4 =	vadd.f32 v8, v4;
	s5 =	sadd.s32 s5, s2;
	v9 =	vld [tilespmem:s1+$0x0]  }
0x131: {  	v14 =	vmul.f32 v14, v14;
	v61 =	vadd.f32 v13, v2;
	v13 =	vsub.f32 v25, v18;
	v8 =	vld [tilespmem:s5+$0x0]  }
0x132: {  	v5 =	vmul.f32 v5, v5;
	v27 =	vld.idx.msk [tilespmem:v27+s3+$0x0], $0xffff  }
0x133: {  	v63 =	vadd.f32 v14, v1;
	v14 =	vmul.f32 v13, v13;
	v13 =	vld [tilespmem:s0+$0x0]  }
0x134: {  	v10 =	vadd.f32 v5, v3;
	v3 =	vld.idx.msk [tilespmem:v28+s3+$0x0], $0xffff  }
0x135: {  	v15 =	vsub.f32 v23, v16;
	v5 =	vld.idx.msk [tilespmem:v29+s3+$0x0], $0xffff  }
0x136: {  	s18 =	simm.s32 $0x60;
	v16 =	vadd.f32 v7, v10;
	v2 =	vsub.f32 v24, v17;
	v7 =	vld.idx.msk [tilespmem:v11+s3+$0x0], $0xffff  }
0x137: {  	v17 =	vsub.f32 v26, v19;
	s18 =	sand.u32 $0x60, s18;
	v15 =	vmul.f32 v15, v15;
	v62 =	vsub.f32 v12, v27;
	v12 =	vld [tilespmem:s0+$0xFFFFFFE0]  }
0x138: {  	s6 =	simm.s32 $0x90;
	s4 =	sadd.s32 s18, s2;
	v1 =	vmul.f32 v2, v2;
	v11 =	vld [tilespmem:s0+$0xFFFFFFF0]  }
0x139: {  	s28 =	sand.u32 $0x50, s6;
	s1 =	simm.s32 $0x80;
	s18 =	simm.s32 $0xA0;
	v10 =	vld [tilespmem:s4+$0x0];
	v15 =	vadd.f32 v15, v4;
	v4 =	vmul.f32 v17, v17;
	v17 =	vmul.f32 v62, v62  }
0x13a: {  	s5 =	simm.s32 $0xB0;
	s2 =	sand.u32 $0x40, s1;
	v2 =	vadd.f32 v1, v16;
	v1 =	vadd.f32 v14, v61;
	v14 =	vld.idx.msk [tilespmem:v6+s3+$0x0], $0xffff;
	s0 =	simm.s32 $0x1D760  }
0x13b: {  	s18 =	sand.u32 $0x60, s18;
	s4 =	sand.u32 $0xF80, s1;
	s1 =	simm.s32 $0xC0;
	v4 =	vadd.f32 v4, v63;
	v6 =	vadd.f32 v17, v15;
	v15 =	vld [tilespmem:s0+$0x10]  }
.LBB2_12:
0x13c: {  	p1 =	sne.s32 s1, $0xFC0;
	s4 =	sadd.s32 s4, s31;
	s5 =	sand.u32 $0x70, s5;
	v12 =	vsub.f32 v12, v3;
	v3 =	vld.idx.msk [tilespmem:v9+s3+$0x0], $0xffff  }
0x13d: {  	s2 =	sadd.s32 s2, s4;
	s6 =	sadd.s32 s28, s4;
	s5 =	sadd.s32 s5, s4;
	v11 =	vsub.f32 v11, v5;
	v5 =	vld.idx.msk [tilespmem:v8+s3+$0x0], $0xffff  }
0x13e: {  	s4 =	sadd.s32 s18, s4;
	v16 =	vld [tilespmem:s5+$0x0];
	v12 =	vmul.f32 v12, v12;
	v7 =	vsub.f32 v13, v7  }
0x13f: {  	v9 =	vld [tilespmem:s2+$0x0];
	v11 =	vmul.f32 v11, v11  }
0x140: {  	v8 =	vld [tilespmem:s6+$0x0];
	v13 =	vsub.f32 v15, v14;
	v2 =	vadd.f32 v12, v2;
	v12 =	vmul.f32 v7, v7  }
0x141: {  	v15 =	vld [tilespmem:s4+$0x0];
	v1 =	vadd.f32 v11, v1  }
0x142: {  	v7 =	vld.idx.msk [tilespmem:v10+s3+$0x0], $0xffff;
	v10 =	vmul.f32 v13, v13;
	v4 =	vadd.f32 v12, v4  }
.Ltmp7:
0x143: {  	v12 =	vld [tilespmem:s0+$0xFFFFFFE0];
	(pc) =	sbr.rel @p1 .LBB2_12-.Ltmp7, $4  }
0x144: {  	v11 =	vld [tilespmem:s0+$0xFFFFFFF0];
	v6 =	vadd.f32 v10, v6  }
0x145: {  	s5 =	sadd.s32 $0x20, s1;
	s2 =	sand.u32 $0x40, s1;
	s4 =	sadd.s32 $0x10, s1;
	v13 =	vld [tilespmem:s0+$0x0]  }
0x146: {  	s18 =	sand.u32 $0x60, s5;
	s28 =	sand.u32 $0x50, s4;
	s0 =	sadd.s32 $0x40, s0;
	v14 =	vld.idx.msk [tilespmem:v16+s3+$0x0], $0xffff;
	v10 =	vmov v15  }
0x147: {  	s5 =	sadd.s32 $0x30, s1;
	s4 =	sand.u32 $0xF80, s1;
	s1 =	sadd.s32 $0x40, s1;
	v15 =	vld [tilespmem:s0+$0x10]  }
0x148: {  	_ =	sdelay $0x3  }
0x149: {  	v9 =	vld.idx.msk [tilespmem:v9+s3+$0x0], $0xffff  }
0x14a: {  	v8 =	vld.idx.msk [tilespmem:v8+s3+$0x0], $0xffff  }
0x14b: {  	v10 =	vld.idx.msk [tilespmem:v10+s3+$0x0], $0xffff  }
0x14c: {  	v20 =	vld [tilespmem:s0+$0xFFFFFFE0]  }
0x14d: {  	s1 =	sadd.s32 s4, s31;
	s6 =	sand.u32 $0x70, s5;
	v21 =	vld [tilespmem:s0+$0xFFFFFFF0]  }
0x14e: {  	v22 =	vld [tilespmem:s0+$0x0];
	s4 =	sadd.s32 s6, s1  }
0x14f: {  	s2 =	sadd.s32 s2, s1;
	v16 =	vld [tilespmem:s4+$0x0]  }
0x150: {  	s28 =	sadd.s32 s28, s1;
	v17 =	vld [tilespmem:s2+$0x0]  }
0x151: {  	s1 =	sadd.s32 s18, s1;
	v18 =	vld [tilespmem:s28+$0x0]  }
0x152: {  	s31 =	sadd.s32 $0x40, s0;
	v19 =	vld [tilespmem:s1+$0x0]  }
0x153: {  	v23 =	vld [tilespmem:s31+$0x10]  }
0x154: {  	v56 =	vld [tilespmem:s31+$0xFFFFFFE0]  }
0x155: {  	v3 =	vsub.f32 v12, v3;
	v57 =	vld [tilespmem:s31+$0xFFFFFFF0]  }
0x156: {  	v5 =	vsub.f32 v11, v5;
	v58 =	vld [tilespmem:s31+$0x0]  }
0x157: {  	v3 =	vmul.f32 v3, v3;
	v55 =	vsub.f32 v15, v14;
	v16 =	vld.idx.msk [tilespmem:v16+s3+$0x0], $0xffff  }
0x158: {  	v7 =	vsub.f32 v13, v7;
	v5 =	vmul.f32 v5, v5;
	v17 =	vld.idx.msk [tilespmem:v17+s3+$0x0], $0xffff  }
0x159: {  	v2 =	vadd.f32 v3, v2;
	v9 =	vsub.f32 v20, v9;
	v3 =	vmul.f32 v55, v55;
	v53 =	vld.idx.msk [tilespmem:v18+s3+$0x0], $0xffff  }
0x15a: {  	v7 =	vmul.f32 v7, v7;
	v54 =	vld.idx.msk [tilespmem:v19+s3+$0x0], $0xffff  }
0x15b: {  	v1 =	vadd.f32 v5, v1;
	v3 =	vadd.f32 v3, v6;
	v6 =	vmul.f32 v9, v9  }
0x15c: {  	v5 =	vsub.f32 v21, v8;
	v4 =	vadd.f32 v7, v4  }
0x15d: {  	v7 =	vsub.f32 v22, v10;
	v2 =	vadd.f32 v6, v2  }
0x15e: {  	v5 =	vmul.f32 v5, v5;
	v59 =	vsub.f32 v23, v16;
	v6 =	vsub.f32 v56, v17  }
.Ltmp8:
0x15f: {  	v7 =	vmul.f32 v7, v7;
	v60 =	vsub.f32 v57, v53;
	v61 =	vsub.f32 v58, v54;
	(pc) =	sbr.rel @!p0 .LBB2_15-.Ltmp8, $4  }
0x160: {  	v1 =	vadd.f32 v5, v1;
	v5 =	vmul.f32 v59, v59;
	v6 =	vmul.f32 v6, v6  }
0x161: {  	v7 =	vadd.f32 v7, v4;
	v62 =	vmul.f32 v60, v60;
	v63 =	vmul.f32 v61, v61  }
0x162: {  	v4 =	vadd.f32 v5, v3;
	v3 =	vadd.f32 v6, v2  }
0x163: {  	v2 =	vadd.f32 v62, v1;
	v1 =	vadd.f32 v63, v7  }
.Ltmp9:
0x164: {  	(pc) =	sbr.rel .LBB2_9-.Ltmp9, $3  }
0x165: {  	_ =	sdelay $0x1  }
0x166: {  	[tilespmem:s22], [sflag:$0x2] =	stream.strided.gather [hbm4b:s15+s19], $0x1000, s20, s19, $0x38;
	[tilespmem:$0x1EB00] =	vst v63  }
0x167: {  	s0 =	simm.s32 $0x8000;
	p0 =	por $0x0, $0x0  }
.LBB2_16:
0x168: {  	_ =	sfence.sel $0x180000  }
0x169: {  	[bflag:$0x0] =	sbarrier.arrive $0xFFFF  }
0x16a: {  	_ =	strace $0x90000047  }
0x16b: {  	s0 =	stileid.u32;
	[bflag:$0x2] =	sbarrier.arrive $0xFFFF  }
0x16c: {  	p0 =	sne.s32 s0, $0x0;
	s0 =	rddreg [dreg:$0x4]  }
0x16d: {  	s0 =	sadd.s32 @!p0 $0x100000, s0  }
0x16e: {  	[sflag:s0] =	ssyncadd.tile.s32 @!p0 $0x1;
	_ =	shalt  }
.Lfunc_end2:
_tile_overlayer_lowered:
.L_overlay_start_2:
0x16f: {  	(tag) =	ssettag $0x2  }
0x170: {  	s0 =	rddreg [dreg:$0x0];
	s2 =	stileid.u32  }
0x171: {  	s1 =	rddreg [dreg:$0x1];
	p0 =	sne.s32 s2, $0x0  }
0x172: {  	s3 =	rddreg [dreg:$0x2];
	[bflag:$0x3] =	sbarrier.arrive $0xFFFF;
	s2 =	simm.s32 @!p0 $0x1C03  }
0x173: {  	[timem:s3], [sflag:s2] =	dma.local @!p0 [hbm:s0], s1  }
0x174: {  	s0 =	simm.s32 @!p0 $0x3  }
0x175: {  	_ =	swait.ge @!p0 [sflag:s0], s1  }
0x176: {  	s1 =	ssub.s32 @!p0 $0x0, s1;
	[sflag:s0] =	ssyncset.done @!p0 $0x0  }
0x177: {  	[sflag:s0] =	ssyncadd.s32 @!p0 s1  }
0x178: {  	[bflag:$0x3] =	sbarrier.arrive $0xFFFF  }
0x179: {  	_ =	shalt  }

</sc_bundles>
